<compile_context>
chip_gen: v7x
topology: tpu7x:2x2x1
jax: 0.10.2.dev20260603
libtpu: 0.0.44.dev20260713+nightly
codegen_flags: <defaults>
</compile_context>

<pallas_src>
import jax
import jax.numpy as jnp
from jax import lax
from jax.experimental import pallas as pl
from jax.experimental.pallas import tpu as pltpu
from jax.experimental.pallas import tpu_sc as plsc
from jax._src.pallas.mpmd import _mpmd_map

_CAP = 16384
_B = 4096
_D = 3 * 32 * 32

_NC = 2
_NS = 16
_NW = _NC * _NS
_RPW = _CAP // _NW
_NV = _B // 16
_CH = 16
_LW = _RPW + 32


def _win_body(idx_hbm, by_hbm, bt_hbm, y_hbm, t_hbm,
              srcl_hbm, dstl_hbm, nwl_hbm, oby_hbm, obt_hbm,
              idx_v, last_v, srcf, dstf, y_v, t_v, by_v, bt_v, sem_unused):
    del sem_unused
    wid = lax.axis_index("s") * _NC + lax.axis_index("c")
    base = wid * _RPW
    lane = lax.iota(jnp.int32, 16)

    pltpu.sync_copy(idx_hbm, idx_v)
    pltpu.sync_copy(y_hbm, y_v)
    pltpu.sync_copy(t_hbm, t_v)
    pltpu.sync_copy(by_hbm.at[pl.ds(base, _RPW)], by_v)
    pltpu.sync_copy(bt_hbm.at[pl.ds(base, _RPW)], bt_v)

    for s in range(_RPW // 16):
        last_v[pl.ds(s * 16, 16)] = jnp.full((16,), -1, jnp.int32)

    def win_step(v, _):
        iv = idx_v[pl.ds(v * 16, 16)]
        inr = (iv >= base) & (iv < base + _RPW)
        n_inr = jnp.sum(inr.astype(jnp.int32))

        @pl.when(n_inr > 0)
        def _():
            _, keep = plsc.scan_count(iv, mask=inr)
            plsc.store_scatter(last_v, [iv - base],
                               v * 16 + lane, mask=keep)
        return 0

    lax.fori_loop(0, _NV, win_step, 0)

    def cmp_step(s, off):
        lv = last_v[pl.ds(s * 16, 16)]
        m = lv >= 0
        cnt = jnp.sum(m.astype(jnp.int32))
        plsc.store_compressed(srcf.at[pl.ds(off, 16)], lv, mask=m)
        plsc.store_compressed(dstf.at[pl.ds(off, 16)], base + s * 16 + lane, mask=m)
        return off + cnt

    nw = lax.fori_loop(0, _RPW // 16, cmp_step, jnp.int32(0))

    @pl.when(nw > 0)
    def _():
        neg = jnp.full((16,), -(2**31), jnp.int32)
        zero16 = jnp.zeros((16,), jnp.int32)
        s0 = jnp.max(jnp.where(lane == 0, srcf[pl.ds(0, 16)], neg))
        d0 = jnp.max(jnp.where(lane == 0, dstf[pl.ds(0, 16)], neg))
        srcf[pl.ds(nw, 16)] = zero16 + s0
        dstf[pl.ds(nw, 16)] = zero16 + d0

    pltpu.sync_copy(srcf, srcl_hbm.at[pl.ds(wid * _LW, _LW)])
    pltpu.sync_copy(dstf, dstl_hbm.at[pl.ds(wid * _LW, _LW)])
    last_v[pl.ds(0, 16)] = jnp.zeros((16,), jnp.int32) + nw
    pltpu.sync_copy(last_v.at[pl.ds(0, 16)], nwl_hbm.at[pl.ds(wid * 16, 16)])

    def lbl_step(w, _):
        sv = srcf[pl.ds(w * 16, 16)]
        dv = dstf[pl.ds(w * 16, 16)] - base
        plsc.store_scatter(by_v, [dv],
                           plsc.load_gather(y_v, [sv]))
        plsc.store_scatter(bt_v, [dv],
                           plsc.load_gather(t_v, [sv]))
        return 0

    lax.fori_loop(0, (nw + 15) // 16, lbl_step, 0)
    pltpu.sync_copy(by_v, oby_hbm.at[pl.ds(base, _RPW)])
    pltpu.sync_copy(bt_v, obt_hbm.at[pl.ds(base, _RPW)])


_win_lists = _mpmd_map(
    [(plsc.VectorSubcoreMesh(core_axis_name="c", subcore_axis_name="s"),
      _win_body)],
    [
        jax.ShapeDtypeStruct((_NW * _LW,), jnp.int32),
        jax.ShapeDtypeStruct((_NW * _LW,), jnp.int32),
        jax.ShapeDtypeStruct((_NW * 16,), jnp.int32),
        jax.ShapeDtypeStruct((_CAP,), jnp.int32),
        jax.ShapeDtypeStruct((_CAP,), jnp.int32),
    ],
    input_output_aliases={1: 3, 2: 4},
    scratch_types=[
        pltpu.VMEM((_B,), jnp.int32),
        pltpu.VMEM((_RPW,), jnp.int32),
        pltpu.VMEM((_LW,), jnp.int32),
        pltpu.VMEM((_LW,), jnp.int32),
        pltpu.VMEM((_B,), jnp.int32),
        pltpu.VMEM((_B,), jnp.int32),
        pltpu.VMEM((_RPW,), jnp.int32),
        pltpu.VMEM((_RPW,), jnp.int32),
        pltpu.SemaphoreType.DMA,
    ],
    compiler_params=pltpu.CompilerParams(needs_layout_passes=False),
)


def _mov_body(bx_hbm, x_hbm, srcl_hbm, dstl_hbm, nwl_hbm,
              obx_hbm,
              srcf, dstf, nw_v, buf_a, buf_b, sem_g, sem_s):
    del bx_hbm
    wid = lax.axis_index("s") * _NC + lax.axis_index("c")

    pltpu.sync_copy(srcl_hbm.at[pl.ds(wid * _LW, _LW)], srcf)
    pltpu.sync_copy(dstl_hbm.at[pl.ds(wid * _LW, _LW)], dstf)
    pltpu.sync_copy(nwl_hbm.at[pl.ds(wid * 16, 16)], nw_v)
    nw = jnp.max(nw_v[pl.ds(0, 16)])
    nch = (nw + _CH - 1) // _CH

    def mov_pair(p, _):
        k0 = p * 2
        sv0 = srcf[pl.ds(k0 * _CH, _CH)]
        pltpu.make_async_copy(x_hbm.at[sv0], buf_a, sem_g).start()

        @pl.when(k0 + 1 < nch)
        def _():
            sv1 = srcf[pl.ds((k0 + 1) * _CH, _CH)]
            pltpu.make_async_copy(x_hbm.at[sv1], buf_b, sem_g).start()

        pltpu.make_async_copy(x_hbm.at[sv0], buf_a, sem_g).wait()
        dv0 = dstf[pl.ds(k0 * _CH, _CH)]
        pltpu.async_copy(buf_a, obx_hbm.at[dv0], sem_s).wait()

        @pl.when(k0 + 1 < nch)
        def _():
            sv1 = srcf[pl.ds((k0 + 1) * _CH, _CH)]
            pltpu.make_async_copy(x_hbm.at[sv1], buf_b, sem_g).wait()
            dv1 = dstf[pl.ds((k0 + 1) * _CH, _CH)]
            pltpu.async_copy(buf_b, obx_hbm.at[dv1], sem_s).wait()
        return 0

    lax.fori_loop(0, (nch + 1) // 2, mov_pair, 0)


_sc_scatter = _mpmd_map(
    [(plsc.VectorSubcoreMesh(core_axis_name="c", subcore_axis_name="s"),
      _mov_body)],
    [
        jax.ShapeDtypeStruct((_CAP, _D), jnp.float32),
    ],
    input_output_aliases={0: 0},
    scratch_types=[
        pltpu.VMEM((_LW,), jnp.int32),
        pltpu.VMEM((_LW,), jnp.int32),
        pltpu.VMEM((16,), jnp.int32),
        pltpu.VMEM((_CH, _D), jnp.float32),
        pltpu.VMEM((_CH, _D), jnp.float32),
        pltpu.SemaphoreType.DMA,
        pltpu.SemaphoreType.DMA,
    ],
    compiler_params=pltpu.CompilerParams(needs_layout_passes=False),
)


def kernel(bx, by, bt, x, y, t, idx):
    srcl, dstl, nwl, oby, obt = _win_lists(idx, by, bt, y, t)
    (obx,) = _sc_scatter(bx.reshape(_CAP, _D), x.reshape(_B, _D),
                         srcl, dstl, nwl)
    return (obx.reshape(_CAP, 3, 32, 32), oby, obt)

# --- scband reference (transcript-rebuilt; emitter-appended) ---
"""Pipeline reference for scband-buffer-46377056862660 (READ-ONLY COPY).

The authoritative reference and input builder live on the scoring server;
editing this copy changes nothing except your own understanding.
"""

import jax, jax.numpy as jnp
import numpy as np

CAP = 16384
B = 4096

def setup_inputs(seed: int = 0) -> dict:
    key = jax.random.key(seed)
    kx, ky, kt, ki = jax.random.split(key, 4)
    bx = jnp.zeros((CAP, 3, 32, 32), dtype=jnp.float32)
    by = jnp.zeros((CAP,), dtype=jnp.int32)
    bt = jnp.zeros((CAP,), dtype=jnp.int32)
    x = jax.random.normal(kx, (B, 3, 32, 32), dtype=jnp.float32)
    y = jax.random.randint(ky, (B,), 0, 10, dtype=jnp.int32)
    t = jax.random.randint(kt, (B,), 0, 5, dtype=jnp.int32)
    idx = jax.random.randint(ki, (B,), 0, CAP, dtype=jnp.int32)
    return {"bx": bx, "by": by, "bt": bt, "x": x, "y": y, "t": t, "idx": idx}

def reference(bx, by, bt, x, y, t, idx):
    # Faithful to Buffer.add_reservoir's buffer-update step:
    #   for name, data in batch.items(): buffer[idx_buffer] = data[idx_new_data]
    # The reservoir index sampling (torch RNG) is externalized as `idx`;
    # all candidate indices here are valid (< capacity), so idx_new_data == arange(B).
    new_bx = bx.at[idx].set(x)
    new_by = by.at[idx].set(y)
    new_bt = bt.at[idx].set(t)
    return (new_bx, new_by, new_bt)

if __name__ == "__main__":
    import jax
    _d = setup_inputs()
    print(jax.jit(kernel)(*tuple(_d.values())))

</pallas_src>

<mosaic_0001>
#map = affine_map<(d0, d1) -> (0, 0)>
#map1 = affine_map<(d0, d1) -> (0)>
module attributes {stable_mosaic.version = 14 : i64} {
  func.func @_mov_body(%arg0: i32, %arg1: i32, %arg2: memref<16384x3072xf32, #tpu.memory_space<hbm>>, %arg3: memref<4096x3072xf32, #tpu.memory_space<hbm>>, %arg4: memref<17408xi32, #tpu.memory_space<hbm>>, %arg5: memref<17408xi32, #tpu.memory_space<hbm>>, %arg6: memref<512xi32, #tpu.memory_space<hbm>>, %arg7: memref<16384x3072xf32, #tpu.memory_space<hbm>>, %arg8: memref<544xi32, #tpu.memory_space<vmem>>, %arg9: memref<544xi32, #tpu.memory_space<vmem>>, %arg10: memref<16xi32, #tpu.memory_space<vmem>>, %arg11: memref<16x3072xf32, #tpu.memory_space<vmem>>, %arg12: memref<16x3072xf32, #tpu.memory_space<vmem>>, %arg13: memref<!tpu.dma_semaphore, #tpu.memory_space<semaphore_mem>>, %arg14: memref<!tpu.dma_semaphore, #tpu.memory_space<semaphore_mem>>) attributes {dimension_semantics = [#tpu.dimension_semantics<core_parallel>, #tpu.dimension_semantics<subcore_parallel>], iteration_bounds = array<i64: 2, 16>, scalar_prefetch = 0 : i64, scratch_operands = 7 : i64, tpu.core_type = #tpu.core_type<sc_vector_subcore>, window_params = [{transform_indices = #map}, {transform_indices = #map}, {transform_indices = #map1}, {transform_indices = #map1}, {transform_indices = #map1}, {transform_indices = #map}]} {
    %mul3A = arith.constant 2 : i32
    %mul3A_0 = arith.muli %arg1, %mul3A : i32
    %add3A = arith.addi %mul3A_0, %arg0 : i32
    %mul3A_1 = arith.constant 544 : i32
    %mul3A_2 = arith.muli %add3A, %mul3A_1 : i32
    "tpu.region"() ({
      %run_scoped3A = tpu.sem_alloc : memref<!tpu.dma_semaphore, #tpu.memory_space<semaphore_mem>>
      %dma_start3A = tpu.memref_slice %arg4[%mul3A_2] : memref<17408xi32, #tpu.memory_space<hbm>> -> memref<544xi32, #tpu.memory_space<hbm>>
      %dma_start3A_72 = tpu.memref_slice %arg4[%mul3A_2] : memref<17408xi32, #tpu.memory_space<hbm>> -> memref<544xi32, #tpu.memory_space<hbm>>
      tpu.enqueue_dma source(%dma_start3A_72 : memref<544xi32, #tpu.memory_space<hbm>>) target(%arg8 : memref<544xi32, #tpu.memory_space<vmem>>) target_semaphore(%run_scoped3A : memref<!tpu.dma_semaphore, #tpu.memory_space<semaphore_mem>>)
      %dma_wait3A = tpu.memref_slice %arg4[%mul3A_2] : memref<17408xi32, #tpu.memory_space<hbm>> -> memref<544xi32, #tpu.memory_space<hbm>>
      %dma_wait3A_73 = tpu.memref_slice %arg4[%mul3A_2] : memref<17408xi32, #tpu.memory_space<hbm>> -> memref<544xi32, #tpu.memory_space<hbm>>
      tpu.wait_dma2 semaphore(%run_scoped3A : memref<!tpu.dma_semaphore, #tpu.memory_space<semaphore_mem>>) src(%dma_wait3A_73 : memref<544xi32, #tpu.memory_space<hbm>>) dst(%arg8 : memref<544xi32, #tpu.memory_space<vmem>>)
      tpu.yield
    }) : () -> ()
    %mul3A_3 = arith.constant 544 : i32
    %mul3A_4 = arith.muli %add3A, %mul3A_3 : i32
    "tpu.region"() ({
      %run_scoped3A = tpu.sem_alloc : memref<!tpu.dma_semaphore, #tpu.memory_space<semaphore_mem>>
      %dma_start3A = tpu.memref_slice %arg5[%mul3A_4] : memref<17408xi32, #tpu.memory_space<hbm>> -> memref<544xi32, #tpu.memory_space<hbm>>
      %dma_start3A_72 = tpu.memref_slice %arg5[%mul3A_4] : memref<17408xi32, #tpu.memory_space<hbm>> -> memref<544xi32, #tpu.memory_space<hbm>>
      tpu.enqueue_dma source(%dma_start3A_72 : memref<544xi32, #tpu.memory_space<hbm>>) target(%arg9 : memref<544xi32, #tpu.memory_space<vmem>>) target_semaphore(%run_scoped3A : memref<!tpu.dma_semaphore, #tpu.memory_space<semaphore_mem>>)
      %dma_wait3A = tpu.memref_slice %arg5[%mul3A_4] : memref<17408xi32, #tpu.memory_space<hbm>> -> memref<544xi32, #tpu.memory_space<hbm>>
      %dma_wait3A_73 = tpu.memref_slice %arg5[%mul3A_4] : memref<17408xi32, #tpu.memory_space<hbm>> -> memref<544xi32, #tpu.memory_space<hbm>>
      tpu.wait_dma2 semaphore(%run_scoped3A : memref<!tpu.dma_semaphore, #tpu.memory_space<semaphore_mem>>) src(%dma_wait3A_73 : memref<544xi32, #tpu.memory_space<hbm>>) dst(%arg9 : memref<544xi32, #tpu.memory_space<vmem>>)
      tpu.yield
    }) : () -> ()
    %mul3A_5 = arith.constant 16 : i32
    %mul3A_6 = arith.muli %add3A, %mul3A_5 : i32
    "tpu.region"() ({
      %run_scoped3A = tpu.sem_alloc : memref<!tpu.dma_semaphore, #tpu.memory_space<semaphore_mem>>
      %dma_start3A = tpu.memref_slice %arg6[%mul3A_6] : memref<512xi32, #tpu.memory_space<hbm>> -> memref<16xi32, #tpu.memory_space<hbm>>
      %dma_start3A_72 = tpu.memref_slice %arg6[%mul3A_6] : memref<512xi32, #tpu.memory_space<hbm>> -> memref<16xi32, #tpu.memory_space<hbm>>
      tpu.enqueue_dma source(%dma_start3A_72 : memref<16xi32, #tpu.memory_space<hbm>>) target(%arg10 : memref<16xi32, #tpu.memory_space<vmem>>) target_semaphore(%run_scoped3A : memref<!tpu.dma_semaphore, #tpu.memory_space<semaphore_mem>>)
      %dma_wait3A = tpu.memref_slice %arg6[%mul3A_6] : memref<512xi32, #tpu.memory_space<hbm>> -> memref<16xi32, #tpu.memory_space<hbm>>
      %dma_wait3A_73 = tpu.memref_slice %arg6[%mul3A_6] : memref<512xi32, #tpu.memory_space<hbm>> -> memref<16xi32, #tpu.memory_space<hbm>>
      tpu.wait_dma2 semaphore(%run_scoped3A : memref<!tpu.dma_semaphore, #tpu.memory_space<semaphore_mem>>) src(%dma_wait3A_73 : memref<16xi32, #tpu.memory_space<hbm>>) dst(%arg10 : memref<16xi32, #tpu.memory_space<vmem>>)
      tpu.yield
    }) : () -> ()
    %get3A = arith.constant 0 : index
    %get3A_7 = tpu.vector_load %arg10[%get3A] {strides = array<i32>} : memref<16xi32, #tpu.memory_space<vmem>>, vector<16xi32>,
    %reduce_max3A = arith.constant true
    %reduce_max3A_8 = vector.broadcast %reduce_max3A : i1 to vector<16xi1>
    %reduce_max3A_9 = arith.constant -2147483648 : i32
    %reduce_max3A_10 = vector.broadcast %reduce_max3A_9 : i32 to vector<16xi32>
    %reduce_max3A_11 = arith.xori %get3A_7, %reduce_max3A_10 : vector<16xi32>
    %reduce_max3A_12 = tpu.scan <max>, %reduce_max3A_11 masked %reduce_max3A_8 : vector<16xi32>, vector<16xi1> -> vector<16xi32>
    %reduce_max3A_13 = arith.xori %reduce_max3A_12, %reduce_max3A_10 : vector<16xi32>
    %reduce_max3A_14 = vector.extract %reduce_max3A_13[15] : i32 from vector<16xi32>
    %add3A_15 = arith.constant 16 : i32
    %add3A_16 = arith.addi %reduce_max3A_14, %add3A_15 : i32
    %sub3A = arith.constant 1 : i32
    %sub3A_17 = arith.subi %add3A_16, %sub3A : i32
    %jit3A = arith.constant 16 : i32
    %div3A = arith.divsi %sub3A_17, %jit3A : i32
    %sign3A = arith.constant 0 : i32
    %sign3A_18 = arith.cmpi sgt, %sub3A_17, %sign3A : i32
    %sign3A_19 = arith.extui %sign3A_18 : i1 to i32
    %sign3A_20 = arith.constant 0 : i32
    %sign3A_21 = arith.cmpi slt, %sub3A_17, %sign3A_20 : i32
    %sign3A_22 = arith.extui %sign3A_21 : i1 to i32
    %sign3A_23 = arith.subi %sign3A_19, %sign3A_22 : i32
    %sign3A_24 = arith.constant 0 : i32
    %sign3A_25 = arith.cmpi sgt, %jit3A, %sign3A_24 : i32
    %sign3A_26 = arith.extui %sign3A_25 : i1 to i32
    %sign3A_27 = arith.constant 0 : i32
    %sign3A_28 = arith.cmpi slt, %jit3A, %sign3A_27 : i32
    %sign3A_29 = arith.extui %sign3A_28 : i1 to i32
    %sign3A_30 = arith.subi %sign3A_26, %sign3A_29 : i32
    %ne3A = arith.cmpi ne, %sign3A_23, %sign3A_30 : i32
    %rem3A = arith.remsi %sub3A_17, %jit3A : i32
    %ne3A_31 = arith.constant 0 : i32
    %ne3A_32 = arith.cmpi ne, %rem3A, %ne3A_31 : i32
    %and3A = arith.andi %ne3A, %ne3A_32 : i1
    %sub3A_33 = arith.constant 1 : i32
    %sub3A_34 = arith.subi %div3A, %sub3A_33 : i32
    %select_n3A = arith.select %and3A, %sub3A_34, %div3A : i32
    %add3A_35 = arith.constant 1 : i32
    %add3A_36 = arith.addi %select_n3A, %add3A_35 : i32
    %jit3A_37 = arith.constant 2 : i32
    %div3A_38 = arith.divsi %add3A_36, %jit3A_37 : i32
    %sign3A_39 = arith.constant 0 : i32
    %sign3A_40 = arith.cmpi sgt, %add3A_36, %sign3A_39 : i32
    %sign3A_41 = arith.extui %sign3A_40 : i1 to i32
    %sign3A_42 = arith.constant 0 : i32
    %sign3A_43 = arith.cmpi slt, %add3A_36, %sign3A_42 : i32
    %sign3A_44 = arith.extui %sign3A_43 : i1 to i32
    %sign3A_45 = arith.subi %sign3A_41, %sign3A_44 : i32
    %sign3A_46 = arith.constant 0 : i32
    %sign3A_47 = arith.cmpi sgt, %jit3A_37, %sign3A_46 : i32
    %sign3A_48 = arith.extui %sign3A_47 : i1 to i32
    %sign3A_49 = arith.constant 0 : i32
    %sign3A_50 = arith.cmpi slt, %jit3A_37, %sign3A_49 : i32
    %sign3A_51 = arith.extui %sign3A_50 : i1 to i32
    %sign3A_52 = arith.subi %sign3A_48, %sign3A_51 : i32
    %ne3A_53 = arith.cmpi ne, %sign3A_45, %sign3A_52 : i32
    %rem3A_54 = arith.remsi %add3A_36, %jit3A_37 : i32
    %ne3A_55 = arith.constant 0 : i32
    %ne3A_56 = arith.cmpi ne, %rem3A_54, %ne3A_55 : i32
    %and3A_57 = arith.andi %ne3A_53, %ne3A_56 : i1
    %sub3A_58 = arith.constant 1 : i32
    %sub3A_59 = arith.subi %div3A_38, %sub3A_58 : i32
    %select_n3A_60 = arith.select %and3A_57, %sub3A_59, %div3A_38 : i32
    %while3A = arith.constant 0 : i32
    %while3A_61 = arith.constant 0 : i32
    %while3A_62 = arith.subi %select_n3A_60, %while3A : i32
    %while3A_63 = arith.addi %while3A, %while3A_62 : i32
    %while3A_64 = arith.constant 1 : i32
    %while3A_65 = arith.divsi %while3A_62, %while3A_64 : i32
    %while3A_66 = arith.muli %while3A_65, %while3A_64 : i32
    %while3A_67 = arith.addi %while3A, %while3A_66 : i32
    %while3A_68 = arith.constant 1 : i32
    %while3A_69 = scf.for %while3A_72 = %while3A to %while3A_67 step %while3A_68 iter_args(%while3A_73 = %while3A_61) -> (i32)  : i32 {
      %mul3A_74 = arith.constant 2 : i32
      %mul3A_75 = arith.muli %while3A_72, %mul3A_74 : i32
      %mul3A_76 = arith.constant 16 : i32
      %mul3A_77 = arith.muli %mul3A_75, %mul3A_76 : i32
      %get3A_78 = arith.index_cast %mul3A_77 : i32 to index
      %get3A_79 = tpu.vector_load %arg8[%get3A_78] {strides = array<i32>} : memref<544xi32, #tpu.memory_space<vmem>>, vector<16xi32>,
      %dma_start3A = arith.constant 0 : i32
      %dma_start3A_80 = arith.constant 0 : i32
      %dma_start3A_81 = tpu.memref_slice %arg3[%dma_start3A, %dma_start3A_80] : memref<4096x3072xf32, #tpu.memory_space<hbm>> -> memref<4096x3072xf32, #tpu.memory_space<hbm>>
      tpu.enqueue_indirect_dma source(%dma_start3A_81 : memref<4096x3072xf32, #tpu.memory_space<hbm>>) target(%arg11 : memref<16x3072xf32, #tpu.memory_space<vmem>>) offsets(%get3A_79 : vector<16xi32>) semaphore(%arg13 : memref<!tpu.dma_semaphore, #tpu.memory_space<semaphore_mem>>)
      %add3A_82 = arith.constant 1 : i32
      %add3A_83 = arith.addi %mul3A_75, %add3A_82 : i32
      %lt3A = arith.cmpi slt, %add3A_83, %select_n3A : i32
      %convert_element_type3A = arith.extui %lt3A : i1 to i32
      %cond3A = arith.constant 0 : i32
      %cond3A_84 = arith.cmpi ne, %convert_element_type3A, %cond3A : i32
      scf.if %cond3A_84 {
        %add3A_104 = arith.constant 1 : i32
        %add3A_105 = arith.addi %mul3A_75, %add3A_104 : i32
        %mul3A_106 = arith.constant 16 : i32
        %mul3A_107 = arith.muli %add3A_105, %mul3A_106 : i32
        %get3A_108 = arith.index_cast %mul3A_107 : i32 to index
        %get3A_109 = tpu.vector_load %arg8[%get3A_108] {strides = array<i32>} : memref<544xi32, #tpu.memory_space<vmem>>, vector<16xi32>,
        %dma_start3A_110 = arith.constant 0 : i32
        %dma_start3A_111 = arith.constant 0 : i32
        %dma_start3A_112 = tpu.memref_slice %arg3[%dma_start3A_110, %dma_start3A_111] : memref<4096x3072xf32, #tpu.memory_space<hbm>> -> memref<4096x3072xf32, #tpu.memory_space<hbm>>
        tpu.enqueue_indirect_dma source(%dma_start3A_112 : memref<4096x3072xf32, #tpu.memory_space<hbm>>) target(%arg12 : memref<16x3072xf32, #tpu.memory_space<vmem>>) offsets(%get3A_109 : vector<16xi32>) semaphore(%arg13 : memref<!tpu.dma_semaphore, #tpu.memory_space<semaphore_mem>>)
      } else {
      }
      %dma_wait3A = arith.constant 0 : i32
      %dma_wait3A_85 = arith.constant 0 : i32
      %dma_wait3A_86 = tpu.memref_slice %arg3[%dma_wait3A, %dma_wait3A_85] : memref<4096x3072xf32, #tpu.memory_space<hbm>> -> memref<4096x3072xf32, #tpu.memory_space<hbm>>
      tpu.wait_indirect_dma semaphore(%arg13 : memref<!tpu.dma_semaphore, #tpu.memory_space<semaphore_mem>>) src(%dma_wait3A_86 : memref<4096x3072xf32, #tpu.memory_space<hbm>>) dst(%arg11 : memref<16x3072xf32, #tpu.memory_space<vmem>>)
      %mul3A_87 = arith.constant 16 : i32
      %mul3A_88 = arith.muli %mul3A_75, %mul3A_87 : i32
      %get3A_89 = arith.index_cast %mul3A_88 : i32 to index
      %get3A_90 = tpu.vector_load %arg9[%get3A_89] {strides = array<i32>} : memref<544xi32, #tpu.memory_space<vmem>>, vector<16xi32>,
      %dma_start3A_91 = arith.constant 0 : i32
      %dma_start3A_92 = arith.constant 0 : i32
      %dma_start3A_93 = tpu.memref_slice %arg7[%dma_start3A_91, %dma_start3A_92] : memref<16384x3072xf32, #tpu.memory_space<hbm>> -> memref<16384x3072xf32, #tpu.memory_space<hbm>>
      tpu.enqueue_indirect_dma source(%arg11 : memref<16x3072xf32, #tpu.memory_space<vmem>>) target(%dma_start3A_93 : memref<16384x3072xf32, #tpu.memory_space<hbm>>) offsets(%get3A_90 : vector<16xi32>) semaphore(%arg14 : memref<!tpu.dma_semaphore, #tpu.memory_space<semaphore_mem>>)
      %dma_wait3A_94 = arith.constant 0 : i32
      %dma_wait3A_95 = arith.constant 0 : i32
      %dma_wait3A_96 = tpu.memref_slice %arg7[%dma_wait3A_94, %dma_wait3A_95] : memref<16384x3072xf32, #tpu.memory_space<hbm>> -> memref<16384x3072xf32, #tpu.memory_space<hbm>>
      tpu.wait_indirect_dma semaphore(%arg14 : memref<!tpu.dma_semaphore, #tpu.memory_space<semaphore_mem>>) src(%arg11 : memref<16x3072xf32, #tpu.memory_space<vmem>>) dst(%dma_wait3A_96 : memref<16384x3072xf32, #tpu.memory_space<hbm>>)
      %add3A_97 = arith.constant 1 : i32
      %add3A_98 = arith.addi %mul3A_75, %add3A_97 : i32
      %lt3A_99 = arith.cmpi slt, %add3A_98, %select_n3A : i32
      %convert_element_type3A_100 = arith.extui %lt3A_99 : i1 to i32
      %cond3A_101 = arith.constant 0 : i32
      %cond3A_102 = arith.cmpi ne, %convert_element_type3A_100, %cond3A_101 : i32
      scf.if %cond3A_102 {
        %add3A_104 = arith.constant 1 : i32
        %add3A_105 = arith.addi %mul3A_75, %add3A_104 : i32
        %mul3A_106 = arith.constant 16 : i32
        %mul3A_107 = arith.muli %add3A_105, %mul3A_106 : i32
        %get3A_108 = arith.index_cast %mul3A_107 : i32 to index
        %get3A_109 = tpu.vector_load %arg8[%get3A_108] {strides = array<i32>} : memref<544xi32, #tpu.memory_space<vmem>>, vector<16xi32>,
        %dma_wait3A_110 = arith.constant 0 : i32
        %dma_wait3A_111 = arith.constant 0 : i32
        %dma_wait3A_112 = tpu.memref_slice %arg3[%dma_wait3A_110, %dma_wait3A_111] : memref<4096x3072xf32, #tpu.memory_space<hbm>> -> memref<4096x3072xf32, #tpu.memory_space<hbm>>
        tpu.wait_indirect_dma semaphore(%arg13 : memref<!tpu.dma_semaphore, #tpu.memory_space<semaphore_mem>>) src(%dma_wait3A_112 : memref<4096x3072xf32, #tpu.memory_space<hbm>>) dst(%arg12 : memref<16x3072xf32, #tpu.memory_space<vmem>>)
        %add3A_113 = arith.constant 1 : i32
        %add3A_114 = arith.addi %mul3A_75, %add3A_113 : i32
        %mul3A_115 = arith.constant 16 : i32
        %mul3A_116 = arith.muli %add3A_114, %mul3A_115 : i32
        %get3A_117 = arith.index_cast %mul3A_116 : i32 to index
        %get3A_118 = tpu.vector_load %arg9[%get3A_117] {strides = array<i32>} : memref<544xi32, #tpu.memory_space<vmem>>, vector<16xi32>,
        %dma_start3A_119 = arith.constant 0 : i32
        %dma_start3A_120 = arith.constant 0 : i32
        %dma_start3A_121 = tpu.memref_slice %arg7[%dma_start3A_119, %dma_start3A_120] : memref<16384x3072xf32, #tpu.memory_space<hbm>> -> memref<16384x3072xf32, #tpu.memory_space<hbm>>
        tpu.enqueue_indirect_dma source(%arg12 : memref<16x3072xf32, #tpu.memory_space<vmem>>) target(%dma_start3A_121 : memref<16384x3072xf32, #tpu.memory_space<hbm>>) offsets(%get3A_118 : vector<16xi32>) semaphore(%arg14 : memref<!tpu.dma_semaphore, #tpu.memory_space<semaphore_mem>>)
        %dma_wait3A_122 = arith.constant 0 : i32
        %dma_wait3A_123 = arith.constant 0 : i32
        %dma_wait3A_124 = tpu.memref_slice %arg7[%dma_wait3A_122, %dma_wait3A_123] : memref<16384x3072xf32, #tpu.memory_space<hbm>> -> memref<16384x3072xf32, #tpu.memory_space<hbm>>
        tpu.wait_indirect_dma semaphore(%arg14 : memref<!tpu.dma_semaphore, #tpu.memory_space<semaphore_mem>>) src(%arg12 : memref<16x3072xf32, #tpu.memory_space<vmem>>) dst(%dma_wait3A_124 : memref<16384x3072xf32, #tpu.memory_space<hbm>>)
      } else {
      }
      %while3A_103 = arith.constant 0 : i32
      scf.yield %while3A_103 : i32
    }
    %while3A_70 = arith.constant 1 : i32
    %while3A_71 = scf.for %while3A_72 = %while3A_67 to %while3A_63 step %while3A_70 iter_args(%while3A_73 = %while3A_69) -> (i32)  : i32 {
      %mul3A_74 = arith.constant 2 : i32
      %mul3A_75 = arith.muli %while3A_72, %mul3A_74 : i32
      %mul3A_76 = arith.constant 16 : i32
      %mul3A_77 = arith.muli %mul3A_75, %mul3A_76 : i32
      %get3A_78 = arith.index_cast %mul3A_77 : i32 to index
      %get3A_79 = tpu.vector_load %arg8[%get3A_78] {strides = array<i32>} : memref<544xi32, #tpu.memory_space<vmem>>, vector<16xi32>,
      %dma_start3A = arith.constant 0 : i32
      %dma_start3A_80 = arith.constant 0 : i32
      %dma_start3A_81 = tpu.memref_slice %arg3[%dma_start3A, %dma_start3A_80] : memref<4096x3072xf32, #tpu.memory_space<hbm>> -> memref<4096x3072xf32, #tpu.memory_space<hbm>>
      tpu.enqueue_indirect_dma source(%dma_start3A_81 : memref<4096x3072xf32, #tpu.memory_space<hbm>>) target(%arg11 : memref<16x3072xf32, #tpu.memory_space<vmem>>) offsets(%get3A_79 : vector<16xi32>) semaphore(%arg13 : memref<!tpu.dma_semaphore, #tpu.memory_space<semaphore_mem>>)
      %add3A_82 = arith.constant 1 : i32
      %add3A_83 = arith.addi %mul3A_75, %add3A_82 : i32
      %lt3A = arith.cmpi slt, %add3A_83, %select_n3A : i32
      %convert_element_type3A = arith.extui %lt3A : i1 to i32
      %cond3A = arith.constant 0 : i32
      %cond3A_84 = arith.cmpi ne, %convert_element_type3A, %cond3A : i32
      scf.if %cond3A_84 {
        %add3A_104 = arith.constant 1 : i32
        %add3A_105 = arith.addi %mul3A_75, %add3A_104 : i32
        %mul3A_106 = arith.constant 16 : i32
        %mul3A_107 = arith.muli %add3A_105, %mul3A_106 : i32
        %get3A_108 = arith.index_cast %mul3A_107 : i32 to index
        %get3A_109 = tpu.vector_load %arg8[%get3A_108] {strides = array<i32>} : memref<544xi32, #tpu.memory_space<vmem>>, vector<16xi32>,
        %dma_start3A_110 = arith.constant 0 : i32
        %dma_start3A_111 = arith.constant 0 : i32
        %dma_start3A_112 = tpu.memref_slice %arg3[%dma_start3A_110, %dma_start3A_111] : memref<4096x3072xf32, #tpu.memory_space<hbm>> -> memref<4096x3072xf32, #tpu.memory_space<hbm>>
        tpu.enqueue_indirect_dma source(%dma_start3A_112 : memref<4096x3072xf32, #tpu.memory_space<hbm>>) target(%arg12 : memref<16x3072xf32, #tpu.memory_space<vmem>>) offsets(%get3A_109 : vector<16xi32>) semaphore(%arg13 : memref<!tpu.dma_semaphore, #tpu.memory_space<semaphore_mem>>)
      } else {
      }
      %dma_wait3A = arith.constant 0 : i32
      %dma_wait3A_85 = arith.constant 0 : i32
      %dma_wait3A_86 = tpu.memref_slice %arg3[%dma_wait3A, %dma_wait3A_85] : memref<4096x3072xf32, #tpu.memory_space<hbm>> -> memref<4096x3072xf32, #tpu.memory_space<hbm>>
      tpu.wait_indirect_dma semaphore(%arg13 : memref<!tpu.dma_semaphore, #tpu.memory_space<semaphore_mem>>) src(%dma_wait3A_86 : memref<4096x3072xf32, #tpu.memory_space<hbm>>) dst(%arg11 : memref<16x3072xf32, #tpu.memory_space<vmem>>)
      %mul3A_87 = arith.constant 16 : i32
      %mul3A_88 = arith.muli %mul3A_75, %mul3A_87 : i32
      %get3A_89 = arith.index_cast %mul3A_88 : i32 to index
      %get3A_90 = tpu.vector_load %arg9[%get3A_89] {strides = array<i32>} : memref<544xi32, #tpu.memory_space<vmem>>, vector<16xi32>,
      %dma_start3A_91 = arith.constant 0 : i32
      %dma_start3A_92 = arith.constant 0 : i32
      %dma_start3A_93 = tpu.memref_slice %arg7[%dma_start3A_91, %dma_start3A_92] : memref<16384x3072xf32, #tpu.memory_space<hbm>> -> memref<16384x3072xf32, #tpu.memory_space<hbm>>
      tpu.enqueue_indirect_dma source(%arg11 : memref<16x3072xf32, #tpu.memory_space<vmem>>) target(%dma_start3A_93 : memref<16384x3072xf32, #tpu.memory_space<hbm>>) offsets(%get3A_90 : vector<16xi32>) semaphore(%arg14 : memref<!tpu.dma_semaphore, #tpu.memory_space<semaphore_mem>>)
      %dma_wait3A_94 = arith.constant 0 : i32
      %dma_wait3A_95 = arith.constant 0 : i32
      %dma_wait3A_96 = tpu.memref_slice %arg7[%dma_wait3A_94, %dma_wait3A_95] : memref<16384x3072xf32, #tpu.memory_space<hbm>> -> memref<16384x3072xf32, #tpu.memory_space<hbm>>
      tpu.wait_indirect_dma semaphore(%arg14 : memref<!tpu.dma_semaphore, #tpu.memory_space<semaphore_mem>>) src(%arg11 : memref<16x3072xf32, #tpu.memory_space<vmem>>) dst(%dma_wait3A_96 : memref<16384x3072xf32, #tpu.memory_space<hbm>>)
      %add3A_97 = arith.constant 1 : i32
      %add3A_98 = arith.addi %mul3A_75, %add3A_97 : i32
      %lt3A_99 = arith.cmpi slt, %add3A_98, %select_n3A : i32
      %convert_element_type3A_100 = arith.extui %lt3A_99 : i1 to i32
      %cond3A_101 = arith.constant 0 : i32
      %cond3A_102 = arith.cmpi ne, %convert_element_type3A_100, %cond3A_101 : i32
      scf.if %cond3A_102 {
        %add3A_104 = arith.constant 1 : i32
        %add3A_105 = arith.addi %mul3A_75, %add3A_104 : i32
        %mul3A_106 = arith.constant 16 : i32
        %mul3A_107 = arith.muli %add3A_105, %mul3A_106 : i32
        %get3A_108 = arith.index_cast %mul3A_107 : i32 to index
        %get3A_109 = tpu.vector_load %arg8[%get3A_108] {strides = array<i32>} : memref<544xi32, #tpu.memory_space<vmem>>, vector<16xi32>,
        %dma_wait3A_110 = arith.constant 0 : i32
        %dma_wait3A_111 = arith.constant 0 : i32
        %dma_wait3A_112 = tpu.memref_slice %arg3[%dma_wait3A_110, %dma_wait3A_111] : memref<4096x3072xf32, #tpu.memory_space<hbm>> -> memref<4096x3072xf32, #tpu.memory_space<hbm>>
        tpu.wait_indirect_dma semaphore(%arg13 : memref<!tpu.dma_semaphore, #tpu.memory_space<semaphore_mem>>) src(%dma_wait3A_112 : memref<4096x3072xf32, #tpu.memory_space<hbm>>) dst(%arg12 : memref<16x3072xf32, #tpu.memory_space<vmem>>)
        %add3A_113 = arith.constant 1 : i32
        %add3A_114 = arith.addi %mul3A_75, %add3A_113 : i32
        %mul3A_115 = arith.constant 16 : i32
        %mul3A_116 = arith.muli %add3A_114, %mul3A_115 : i32
        %get3A_117 = arith.index_cast %mul3A_116 : i32 to index
        %get3A_118 = tpu.vector_load %arg9[%get3A_117] {strides = array<i32>} : memref<544xi32, #tpu.memory_space<vmem>>, vector<16xi32>,
        %dma_start3A_119 = arith.constant 0 : i32
        %dma_start3A_120 = arith.constant 0 : i32
        %dma_start3A_121 = tpu.memref_slice %arg7[%dma_start3A_119, %dma_start3A_120] : memref<16384x3072xf32, #tpu.memory_space<hbm>> -> memref<16384x3072xf32, #tpu.memory_space<hbm>>
        tpu.enqueue_indirect_dma source(%arg12 : memref<16x3072xf32, #tpu.memory_space<vmem>>) target(%dma_start3A_121 : memref<16384x3072xf32, #tpu.memory_space<hbm>>) offsets(%get3A_118 : vector<16xi32>) semaphore(%arg14 : memref<!tpu.dma_semaphore, #tpu.memory_space<semaphore_mem>>)
        %dma_wait3A_122 = arith.constant 0 : i32
        %dma_wait3A_123 = arith.constant 0 : i32
        %dma_wait3A_124 = tpu.memref_slice %arg7[%dma_wait3A_122, %dma_wait3A_123] : memref<16384x3072xf32, #tpu.memory_space<hbm>> -> memref<16384x3072xf32, #tpu.memory_space<hbm>>
        tpu.wait_indirect_dma semaphore(%arg14 : memref<!tpu.dma_semaphore, #tpu.memory_space<semaphore_mem>>) src(%arg12 : memref<16x3072xf32, #tpu.memory_space<vmem>>) dst(%dma_wait3A_124 : memref<16384x3072xf32, #tpu.memory_space<hbm>>)
      } else {
      }
      %while3A_103 = arith.constant 0 : i32
      scf.yield %while3A_103 : i32
    }
    return
  }
}

#map = affine_map<(d0, d1) -> (0)>
module attributes {stable_mosaic.version = 14 : i64} {
  func.func @_win_body(%arg0: i32, %arg1: i32, %arg2: memref<4096xi32, #tpu.memory_space<hbm>>, %arg3: memref<16384xi32, #tpu.memory_space<hbm>>, %arg4: memref<16384xi32, #tpu.memory_space<hbm>>, %arg5: memref<4096xi32, #tpu.memory_space<hbm>>, %arg6: memref<4096xi32, #tpu.memory_space<hbm>>, %arg7: memref<17408xi32, #tpu.memory_space<hbm>>, %arg8: memref<17408xi32, #tpu.memory_space<hbm>>, %arg9: memref<512xi32, #tpu.memory_space<hbm>>, %arg10: memref<16384xi32, #tpu.memory_space<hbm>>, %arg11: memref<16384xi32, #tpu.memory_space<hbm>>, %arg12: memref<4096xi32, #tpu.memory_space<vmem>>, %arg13: memref<512xi32, #tpu.memory_space<vmem>>, %arg14: memref<544xi32, #tpu.memory_space<vmem>>, %arg15: memref<544xi32, #tpu.memory_space<vmem>>, %arg16: memref<4096xi32, #tpu.memory_space<vmem>>, %arg17: memref<4096xi32, #tpu.memory_space<vmem>>, %arg18: memref<512xi32, #tpu.memory_space<vmem>>, %arg19: memref<512xi32, #tpu.memory_space<vmem>>, %arg20: memref<!tpu.dma_semaphore, #tpu.memory_space<semaphore_mem>>) attributes {dimension_semantics = [#tpu.dimension_semantics<core_parallel>, #tpu.dimension_semantics<subcore_parallel>], iteration_bounds = array<i64: 2, 16>, scalar_prefetch = 0 : i64, scratch_operands = 9 : i64, tpu.core_type = #tpu.core_type<sc_vector_subcore>, window_params = [{transform_indices = #map}, {transform_indices = #map}, {transform_indices = #map}, {transform_indices = #map}, {transform_indices = #map}, {transform_indices = #map}, {transform_indices = #map}, {transform_indices = #map}, {transform_indices = #map}, {transform_indices = #map}]} {
    %mul3A = arith.constant 2 : i32
    %mul3A_0 = arith.muli %arg1, %mul3A : i32
    %add3A = arith.addi %mul3A_0, %arg0 : i32
    %mul3A_1 = arith.constant 512 : i32
    %mul3A_2 = arith.muli %add3A, %mul3A_1 : i32
    %iota3A = tpu.iota {dimensions = array<i32: 0>} : vector<16xi32>
    "tpu.region"() ({
      %run_scoped3A = tpu.sem_alloc : memref<!tpu.dma_semaphore, #tpu.memory_space<semaphore_mem>>
      tpu.enqueue_dma source(%arg2 : memref<4096xi32, #tpu.memory_space<hbm>>) target(%arg12 : memref<4096xi32, #tpu.memory_space<vmem>>) target_semaphore(%run_scoped3A : memref<!tpu.dma_semaphore, #tpu.memory_space<semaphore_mem>>)
      tpu.wait_dma2 semaphore(%run_scoped3A : memref<!tpu.dma_semaphore, #tpu.memory_space<semaphore_mem>>) src(%arg2 : memref<4096xi32, #tpu.memory_space<hbm>>) dst(%arg12 : memref<4096xi32, #tpu.memory_space<vmem>>)
      tpu.yield
    }) : () -> ()
    "tpu.region"() ({
      %run_scoped3A = tpu.sem_alloc : memref<!tpu.dma_semaphore, #tpu.memory_space<semaphore_mem>>
      tpu.enqueue_dma source(%arg5 : memref<4096xi32, #tpu.memory_space<hbm>>) target(%arg16 : memref<4096xi32, #tpu.memory_space<vmem>>) target_semaphore(%run_scoped3A : memref<!tpu.dma_semaphore, #tpu.memory_space<semaphore_mem>>)
      tpu.wait_dma2 semaphore(%run_scoped3A : memref<!tpu.dma_semaphore, #tpu.memory_space<semaphore_mem>>) src(%arg5 : memref<4096xi32, #tpu.memory_space<hbm>>) dst(%arg16 : memref<4096xi32, #tpu.memory_space<vmem>>)
      tpu.yield
    }) : () -> ()
    "tpu.region"() ({
      %run_scoped3A = tpu.sem_alloc : memref<!tpu.dma_semaphore, #tpu.memory_space<semaphore_mem>>
      tpu.enqueue_dma source(%arg6 : memref<4096xi32, #tpu.memory_space<hbm>>) target(%arg17 : memref<4096xi32, #tpu.memory_space<vmem>>) target_semaphore(%run_scoped3A : memref<!tpu.dma_semaphore, #tpu.memory_space<semaphore_mem>>)
      tpu.wait_dma2 semaphore(%run_scoped3A : memref<!tpu.dma_semaphore, #tpu.memory_space<semaphore_mem>>) src(%arg6 : memref<4096xi32, #tpu.memory_space<hbm>>) dst(%arg17 : memref<4096xi32, #tpu.memory_space<vmem>>)
      tpu.yield
    }) : () -> ()
    "tpu.region"() ({
      %run_scoped3A = tpu.sem_alloc : memref<!tpu.dma_semaphore, #tpu.memory_space<semaphore_mem>>
      %dma_start3A = tpu.memref_slice %arg3[%mul3A_2] : memref<16384xi32, #tpu.memory_space<hbm>> -> memref<512xi32, #tpu.memory_space<hbm>>
      %dma_start3A_185 = tpu.memref_slice %arg3[%mul3A_2] : memref<16384xi32, #tpu.memory_space<hbm>> -> memref<512xi32, #tpu.memory_space<hbm>>
      tpu.enqueue_dma source(%dma_start3A_185 : memref<512xi32, #tpu.memory_space<hbm>>) target(%arg18 : memref<512xi32, #tpu.memory_space<vmem>>) target_semaphore(%run_scoped3A : memref<!tpu.dma_semaphore, #tpu.memory_space<semaphore_mem>>)
      %dma_wait3A = tpu.memref_slice %arg3[%mul3A_2] : memref<16384xi32, #tpu.memory_space<hbm>> -> memref<512xi32, #tpu.memory_space<hbm>>
      %dma_wait3A_186 = tpu.memref_slice %arg3[%mul3A_2] : memref<16384xi32, #tpu.memory_space<hbm>> -> memref<512xi32, #tpu.memory_space<hbm>>
      tpu.wait_dma2 semaphore(%run_scoped3A : memref<!tpu.dma_semaphore, #tpu.memory_space<semaphore_mem>>) src(%dma_wait3A_186 : memref<512xi32, #tpu.memory_space<hbm>>) dst(%arg18 : memref<512xi32, #tpu.memory_space<vmem>>)
      tpu.yield
    }) : () -> ()
    "tpu.region"() ({
      %run_scoped3A = tpu.sem_alloc : memref<!tpu.dma_semaphore, #tpu.memory_space<semaphore_mem>>
      %dma_start3A = tpu.memref_slice %arg4[%mul3A_2] : memref<16384xi32, #tpu.memory_space<hbm>> -> memref<512xi32, #tpu.memory_space<hbm>>
      %dma_start3A_185 = tpu.memref_slice %arg4[%mul3A_2] : memref<16384xi32, #tpu.memory_space<hbm>> -> memref<512xi32, #tpu.memory_space<hbm>>
      tpu.enqueue_dma source(%dma_start3A_185 : memref<512xi32, #tpu.memory_space<hbm>>) target(%arg19 : memref<512xi32, #tpu.memory_space<vmem>>) target_semaphore(%run_scoped3A : memref<!tpu.dma_semaphore, #tpu.memory_space<semaphore_mem>>)
      %dma_wait3A = tpu.memref_slice %arg4[%mul3A_2] : memref<16384xi32, #tpu.memory_space<hbm>> -> memref<512xi32, #tpu.memory_space<hbm>>
      %dma_wait3A_186 = tpu.memref_slice %arg4[%mul3A_2] : memref<16384xi32, #tpu.memory_space<hbm>> -> memref<512xi32, #tpu.memory_space<hbm>>
      tpu.wait_dma2 semaphore(%run_scoped3A : memref<!tpu.dma_semaphore, #tpu.memory_space<semaphore_mem>>) src(%dma_wait3A_186 : memref<512xi32, #tpu.memory_space<hbm>>) dst(%arg19 : memref<512xi32, #tpu.memory_space<vmem>>)
      tpu.yield
    }) : () -> ()
    %broadcast_in_dim3A = arith.constant -1 : i32
    %broadcast_in_dim3A_3 = vector.broadcast %broadcast_in_dim3A : i32 to vector<16xi32>
    %swap3A = arith.constant 0 : index
    %swap3A_4 = tpu.vector_load %arg13[%swap3A] {strides = array<i32>} : memref<512xi32, #tpu.memory_space<vmem>>, vector<16xi32>,
    tpu.vector_store %arg13[%swap3A], %broadcast_in_dim3A_3 {strides = array<i32>} : memref<512xi32, #tpu.memory_space<vmem>>, vector<16xi32>,
    %broadcast_in_dim3A_5 = arith.constant -1 : i32
    %broadcast_in_dim3A_6 = vector.broadcast %broadcast_in_dim3A_5 : i32 to vector<16xi32>
    %swap3A_7 = arith.constant 16 : index
    %swap3A_8 = tpu.vector_load %arg13[%swap3A_7] {strides = array<i32>} : memref<512xi32, #tpu.memory_space<vmem>>, vector<16xi32>,
    tpu.vector_store %arg13[%swap3A_7], %broadcast_in_dim3A_6 {strides = array<i32>} : memref<512xi32, #tpu.memory_space<vmem>>, vector<16xi32>,
    %broadcast_in_dim3A_9 = arith.constant -1 : i32
    %broadcast_in_dim3A_10 = vector.broadcast %broadcast_in_dim3A_9 : i32 to vector<16xi32>
    %swap3A_11 = arith.constant 32 : index
    %swap3A_12 = tpu.vector_load %arg13[%swap3A_11] {strides = array<i32>} : memref<512xi32, #tpu.memory_space<vmem>>, vector<16xi32>,
    tpu.vector_store %arg13[%swap3A_11], %broadcast_in_dim3A_10 {strides = array<i32>} : memref<512xi32, #tpu.memory_space<vmem>>, vector<16xi32>,
    %broadcast_in_dim3A_13 = arith.constant -1 : i32
    %broadcast_in_dim3A_14 = vector.broadcast %broadcast_in_dim3A_13 : i32 to vector<16xi32>
    %swap3A_15 = arith.constant 48 : index
    %swap3A_16 = tpu.vector_load %arg13[%swap3A_15] {strides = array<i32>} : memref<512xi32, #tpu.memory_space<vmem>>, vector<16xi32>,
    tpu.vector_store %arg13[%swap3A_15], %broadcast_in_dim3A_14 {strides = array<i32>} : memref<512xi32, #tpu.memory_space<vmem>>, vector<16xi32>,
    %broadcast_in_dim3A_17 = arith.constant -1 : i32
    %broadcast_in_dim3A_18 = vector.broadcast %broadcast_in_dim3A_17 : i32 to vector<16xi32>
    %swap3A_19 = arith.constant 64 : index
    %swap3A_20 = tpu.vector_load %arg13[%swap3A_19] {strides = array<i32>} : memref<512xi32, #tpu.memory_space<vmem>>, vector<16xi32>,
    tpu.vector_store %arg13[%swap3A_19], %broadcast_in_dim3A_18 {strides = array<i32>} : memref<512xi32, #tpu.memory_space<vmem>>, vector<16xi32>,
    %broadcast_in_dim3A_21 = arith.constant -1 : i32
    %broadcast_in_dim3A_22 = vector.broadcast %broadcast_in_dim3A_21 : i32 to vector<16xi32>
    %swap3A_23 = arith.constant 80 : index
    %swap3A_24 = tpu.vector_load %arg13[%swap3A_23] {strides = array<i32>} : memref<512xi32, #tpu.memory_space<vmem>>, vector<16xi32>,
    tpu.vector_store %arg13[%swap3A_23], %broadcast_in_dim3A_22 {strides = array<i32>} : memref<512xi32, #tpu.memory_space<vmem>>, vector<16xi32>,
    %broadcast_in_dim3A_25 = arith.constant -1 : i32
    %broadcast_in_dim3A_26 = vector.broadcast %broadcast_in_dim3A_25 : i32 to vector<16xi32>
    %swap3A_27 = arith.constant 96 : index
    %swap3A_28 = tpu.vector_load %arg13[%swap3A_27] {strides = array<i32>} : memref<512xi32, #tpu.memory_space<vmem>>, vector<16xi32>,
    tpu.vector_store %arg13[%swap3A_27], %broadcast_in_dim3A_26 {strides = array<i32>} : memref<512xi32, #tpu.memory_space<vmem>>, vector<16xi32>,
    %broadcast_in_dim3A_29 = arith.constant -1 : i32
    %broadcast_in_dim3A_30 = vector.broadcast %broadcast_in_dim3A_29 : i32 to vector<16xi32>
    %swap3A_31 = arith.constant 112 : index
    %swap3A_32 = tpu.vector_load %arg13[%swap3A_31] {strides = array<i32>} : memref<512xi32, #tpu.memory_space<vmem>>, vector<16xi32>,
    tpu.vector_store %arg13[%swap3A_31], %broadcast_in_dim3A_30 {strides = array<i32>} : memref<512xi32, #tpu.memory_space<vmem>>, vector<16xi32>,
    %broadcast_in_dim3A_33 = arith.constant -1 : i32
    %broadcast_in_dim3A_34 = vector.broadcast %broadcast_in_dim3A_33 : i32 to vector<16xi32>
    %swap3A_35 = arith.constant 128 : index
    %swap3A_36 = tpu.vector_load %arg13[%swap3A_35] {strides = array<i32>} : memref<512xi32, #tpu.memory_space<vmem>>, vector<16xi32>,
    tpu.vector_store %arg13[%swap3A_35], %broadcast_in_dim3A_34 {strides = array<i32>} : memref<512xi32, #tpu.memory_space<vmem>>, vector<16xi32>,
    %broadcast_in_dim3A_37 = arith.constant -1 : i32
    %broadcast_in_dim3A_38 = vector.broadcast %broadcast_in_dim3A_37 : i32 to vector<16xi32>
    %swap3A_39 = arith.constant 144 : index
    %swap3A_40 = tpu.vector_load %arg13[%swap3A_39] {strides = array<i32>} : memref<512xi32, #tpu.memory_space<vmem>>, vector<16xi32>,
    tpu.vector_store %arg13[%swap3A_39], %broadcast_in_dim3A_38 {strides = array<i32>} : memref<512xi32, #tpu.memory_space<vmem>>, vector<16xi32>,
    %broadcast_in_dim3A_41 = arith.constant -1 : i32
    %broadcast_in_dim3A_42 = vector.broadcast %broadcast_in_dim3A_41 : i32 to vector<16xi32>
    %swap3A_43 = arith.constant 160 : index
    %swap3A_44 = tpu.vector_load %arg13[%swap3A_43] {strides = array<i32>} : memref<512xi32, #tpu.memory_space<vmem>>, vector<16xi32>,
    tpu.vector_store %arg13[%swap3A_43], %broadcast_in_dim3A_42 {strides = array<i32>} : memref<512xi32, #tpu.memory_space<vmem>>, vector<16xi32>,
    %broadcast_in_dim3A_45 = arith.constant -1 : i32
    %broadcast_in_dim3A_46 = vector.broadcast %broadcast_in_dim3A_45 : i32 to vector<16xi32>
    %swap3A_47 = arith.constant 176 : index
    %swap3A_48 = tpu.vector_load %arg13[%swap3A_47] {strides = array<i32>} : memref<512xi32, #tpu.memory_space<vmem>>, vector<16xi32>,
    tpu.vector_store %arg13[%swap3A_47], %broadcast_in_dim3A_46 {strides = array<i32>} : memref<512xi32, #tpu.memory_space<vmem>>, vector<16xi32>,
    %broadcast_in_dim3A_49 = arith.constant -1 : i32
    %broadcast_in_dim3A_50 = vector.broadcast %broadcast_in_dim3A_49 : i32 to vector<16xi32>
    %swap3A_51 = arith.constant 192 : index
    %swap3A_52 = tpu.vector_load %arg13[%swap3A_51] {strides = array<i32>} : memref<512xi32, #tpu.memory_space<vmem>>, vector<16xi32>,
    tpu.vector_store %arg13[%swap3A_51], %broadcast_in_dim3A_50 {strides = array<i32>} : memref<512xi32, #tpu.memory_space<vmem>>, vector<16xi32>,
    %broadcast_in_dim3A_53 = arith.constant -1 : i32
    %broadcast_in_dim3A_54 = vector.broadcast %broadcast_in_dim3A_53 : i32 to vector<16xi32>
    %swap3A_55 = arith.constant 208 : index
    %swap3A_56 = tpu.vector_load %arg13[%swap3A_55] {strides = array<i32>} : memref<512xi32, #tpu.memory_space<vmem>>, vector<16xi32>,
    tpu.vector_store %arg13[%swap3A_55], %broadcast_in_dim3A_54 {strides = array<i32>} : memref<512xi32, #tpu.memory_space<vmem>>, vector<16xi32>,
    %broadcast_in_dim3A_57 = arith.constant -1 : i32
    %broadcast_in_dim3A_58 = vector.broadcast %broadcast_in_dim3A_57 : i32 to vector<16xi32>
    %swap3A_59 = arith.constant 224 : index
    %swap3A_60 = tpu.vector_load %arg13[%swap3A_59] {strides = array<i32>} : memref<512xi32, #tpu.memory_space<vmem>>, vector<16xi32>,
    tpu.vector_store %arg13[%swap3A_59], %broadcast_in_dim3A_58 {strides = array<i32>} : memref<512xi32, #tpu.memory_space<vmem>>, vector<16xi32>,
    %broadcast_in_dim3A_61 = arith.constant -1 : i32
    %broadcast_in_dim3A_62 = vector.broadcast %broadcast_in_dim3A_61 : i32 to vector<16xi32>
    %swap3A_63 = arith.constant 240 : index
    %swap3A_64 = tpu.vector_load %arg13[%swap3A_63] {strides = array<i32>} : memref<512xi32, #tpu.memory_space<vmem>>, vector<16xi32>,
    tpu.vector_store %arg13[%swap3A_63], %broadcast_in_dim3A_62 {strides = array<i32>} : memref<512xi32, #tpu.memory_space<vmem>>, vector<16xi32>,
    %broadcast_in_dim3A_65 = arith.constant -1 : i32
    %broadcast_in_dim3A_66 = vector.broadcast %broadcast_in_dim3A_65 : i32 to vector<16xi32>
    %swap3A_67 = arith.constant 256 : index
    %swap3A_68 = tpu.vector_load %arg13[%swap3A_67] {strides = array<i32>} : memref<512xi32, #tpu.memory_space<vmem>>, vector<16xi32>,
    tpu.vector_store %arg13[%swap3A_67], %broadcast_in_dim3A_66 {strides = array<i32>} : memref<512xi32, #tpu.memory_space<vmem>>, vector<16xi32>,
    %broadcast_in_dim3A_69 = arith.constant -1 : i32
    %broadcast_in_dim3A_70 = vector.broadcast %broadcast_in_dim3A_69 : i32 to vector<16xi32>
    %swap3A_71 = arith.constant 272 : index
    %swap3A_72 = tpu.vector_load %arg13[%swap3A_71] {strides = array<i32>} : memref<512xi32, #tpu.memory_space<vmem>>, vector<16xi32>,
    tpu.vector_store %arg13[%swap3A_71], %broadcast_in_dim3A_70 {strides = array<i32>} : memref<512xi32, #tpu.memory_space<vmem>>, vector<16xi32>,
    %broadcast_in_dim3A_73 = arith.constant -1 : i32
    %broadcast_in_dim3A_74 = vector.broadcast %broadcast_in_dim3A_73 : i32 to vector<16xi32>
    %swap3A_75 = arith.constant 288 : index
    %swap3A_76 = tpu.vector_load %arg13[%swap3A_75] {strides = array<i32>} : memref<512xi32, #tpu.memory_space<vmem>>, vector<16xi32>,
    tpu.vector_store %arg13[%swap3A_75], %broadcast_in_dim3A_74 {strides = array<i32>} : memref<512xi32, #tpu.memory_space<vmem>>, vector<16xi32>,
    %broadcast_in_dim3A_77 = arith.constant -1 : i32
    %broadcast_in_dim3A_78 = vector.broadcast %broadcast_in_dim3A_77 : i32 to vector<16xi32>
    %swap3A_79 = arith.constant 304 : index
    %swap3A_80 = tpu.vector_load %arg13[%swap3A_79] {strides = array<i32>} : memref<512xi32, #tpu.memory_space<vmem>>, vector<16xi32>,
    tpu.vector_store %arg13[%swap3A_79], %broadcast_in_dim3A_78 {strides = array<i32>} : memref<512xi32, #tpu.memory_space<vmem>>, vector<16xi32>,
    %broadcast_in_dim3A_81 = arith.constant -1 : i32
    %broadcast_in_dim3A_82 = vector.broadcast %broadcast_in_dim3A_81 : i32 to vector<16xi32>
    %swap3A_83 = arith.constant 320 : index
    %swap3A_84 = tpu.vector_load %arg13[%swap3A_83] {strides = array<i32>} : memref<512xi32, #tpu.memory_space<vmem>>, vector<16xi32>,
    tpu.vector_store %arg13[%swap3A_83], %broadcast_in_dim3A_82 {strides = array<i32>} : memref<512xi32, #tpu.memory_space<vmem>>, vector<16xi32>,
    %broadcast_in_dim3A_85 = arith.constant -1 : i32
    %broadcast_in_dim3A_86 = vector.broadcast %broadcast_in_dim3A_85 : i32 to vector<16xi32>
    %swap3A_87 = arith.constant 336 : index
    %swap3A_88 = tpu.vector_load %arg13[%swap3A_87] {strides = array<i32>} : memref<512xi32, #tpu.memory_space<vmem>>, vector<16xi32>,
    tpu.vector_store %arg13[%swap3A_87], %broadcast_in_dim3A_86 {strides = array<i32>} : memref<512xi32, #tpu.memory_space<vmem>>, vector<16xi32>,
    %broadcast_in_dim3A_89 = arith.constant -1 : i32
    %broadcast_in_dim3A_90 = vector.broadcast %broadcast_in_dim3A_89 : i32 to vector<16xi32>
    %swap3A_91 = arith.constant 352 : index
    %swap3A_92 = tpu.vector_load %arg13[%swap3A_91] {strides = array<i32>} : memref<512xi32, #tpu.memory_space<vmem>>, vector<16xi32>,
    tpu.vector_store %arg13[%swap3A_91], %broadcast_in_dim3A_90 {strides = array<i32>} : memref<512xi32, #tpu.memory_space<vmem>>, vector<16xi32>,
    %broadcast_in_dim3A_93 = arith.constant -1 : i32
    %broadcast_in_dim3A_94 = vector.broadcast %broadcast_in_dim3A_93 : i32 to vector<16xi32>
    %swap3A_95 = arith.constant 368 : index
    %swap3A_96 = tpu.vector_load %arg13[%swap3A_95] {strides = array<i32>} : memref<512xi32, #tpu.memory_space<vmem>>, vector<16xi32>,
    tpu.vector_store %arg13[%swap3A_95], %broadcast_in_dim3A_94 {strides = array<i32>} : memref<512xi32, #tpu.memory_space<vmem>>, vector<16xi32>,
    %broadcast_in_dim3A_97 = arith.constant -1 : i32
    %broadcast_in_dim3A_98 = vector.broadcast %broadcast_in_dim3A_97 : i32 to vector<16xi32>
    %swap3A_99 = arith.constant 384 : index
    %swap3A_100 = tpu.vector_load %arg13[%swap3A_99] {strides = array<i32>} : memref<512xi32, #tpu.memory_space<vmem>>, vector<16xi32>,
    tpu.vector_store %arg13[%swap3A_99], %broadcast_in_dim3A_98 {strides = array<i32>} : memref<512xi32, #tpu.memory_space<vmem>>, vector<16xi32>,
    %broadcast_in_dim3A_101 = arith.constant -1 : i32
    %broadcast_in_dim3A_102 = vector.broadcast %broadcast_in_dim3A_101 : i32 to vector<16xi32>
    %swap3A_103 = arith.constant 400 : index
    %swap3A_104 = tpu.vector_load %arg13[%swap3A_103] {strides = array<i32>} : memref<512xi32, #tpu.memory_space<vmem>>, vector<16xi32>,
    tpu.vector_store %arg13[%swap3A_103], %broadcast_in_dim3A_102 {strides = array<i32>} : memref<512xi32, #tpu.memory_space<vmem>>, vector<16xi32>,
    %broadcast_in_dim3A_105 = arith.constant -1 : i32
    %broadcast_in_dim3A_106 = vector.broadcast %broadcast_in_dim3A_105 : i32 to vector<16xi32>
    %swap3A_107 = arith.constant 416 : index
    %swap3A_108 = tpu.vector_load %arg13[%swap3A_107] {strides = array<i32>} : memref<512xi32, #tpu.memory_space<vmem>>, vector<16xi32>,
    tpu.vector_store %arg13[%swap3A_107], %broadcast_in_dim3A_106 {strides = array<i32>} : memref<512xi32, #tpu.memory_space<vmem>>, vector<16xi32>,
    %broadcast_in_dim3A_109 = arith.constant -1 : i32
    %broadcast_in_dim3A_110 = vector.broadcast %broadcast_in_dim3A_109 : i32 to vector<16xi32>
    %swap3A_111 = arith.constant 432 : index
    %swap3A_112 = tpu.vector_load %arg13[%swap3A_111] {strides = array<i32>} : memref<512xi32, #tpu.memory_space<vmem>>, vector<16xi32>,
    tpu.vector_store %arg13[%swap3A_111], %broadcast_in_dim3A_110 {strides = array<i32>} : memref<512xi32, #tpu.memory_space<vmem>>, vector<16xi32>,
    %broadcast_in_dim3A_113 = arith.constant -1 : i32
    %broadcast_in_dim3A_114 = vector.broadcast %broadcast_in_dim3A_113 : i32 to vector<16xi32>
    %swap3A_115 = arith.constant 448 : index
    %swap3A_116 = tpu.vector_load %arg13[%swap3A_115] {strides = array<i32>} : memref<512xi32, #tpu.memory_space<vmem>>, vector<16xi32>,
    tpu.vector_store %arg13[%swap3A_115], %broadcast_in_dim3A_114 {strides = array<i32>} : memref<512xi32, #tpu.memory_space<vmem>>, vector<16xi32>,
    %broadcast_in_dim3A_117 = arith.constant -1 : i32
    %broadcast_in_dim3A_118 = vector.broadcast %broadcast_in_dim3A_117 : i32 to vector<16xi32>
    %swap3A_119 = arith.constant 464 : index
    %swap3A_120 = tpu.vector_load %arg13[%swap3A_119] {strides = array<i32>} : memref<512xi32, #tpu.memory_space<vmem>>, vector<16xi32>,
    tpu.vector_store %arg13[%swap3A_119], %broadcast_in_dim3A_118 {strides = array<i32>} : memref<512xi32, #tpu.memory_space<vmem>>, vector<16xi32>,
    %broadcast_in_dim3A_121 = arith.constant -1 : i32
    %broadcast_in_dim3A_122 = vector.broadcast %broadcast_in_dim3A_121 : i32 to vector<16xi32>
    %swap3A_123 = arith.constant 480 : index
    %swap3A_124 = tpu.vector_load %arg13[%swap3A_123] {strides = array<i32>} : memref<512xi32, #tpu.memory_space<vmem>>, vector<16xi32>,
    tpu.vector_store %arg13[%swap3A_123], %broadcast_in_dim3A_122 {strides = array<i32>} : memref<512xi32, #tpu.memory_space<vmem>>, vector<16xi32>,
    %broadcast_in_dim3A_125 = arith.constant -1 : i32
    %broadcast_in_dim3A_126 = vector.broadcast %broadcast_in_dim3A_125 : i32 to vector<16xi32>
    %swap3A_127 = arith.constant 496 : index
    %swap3A_128 = tpu.vector_load %arg13[%swap3A_127] {strides = array<i32>} : memref<512xi32, #tpu.memory_space<vmem>>, vector<16xi32>,
    tpu.vector_store %arg13[%swap3A_127], %broadcast_in_dim3A_126 {strides = array<i32>} : memref<512xi32, #tpu.memory_space<vmem>>, vector<16xi32>,
    %scan3A = arith.constant 0 : i32
    %scan3A_129 = arith.constant 0 : i32
    %scan3A_130 = arith.constant 256 : i32
    %scan3A_131 = arith.addi %scan3A_129, %scan3A_130 : i32
    %scan3A_132 = arith.constant 1 : i32
    %scan3A_133 = scf.for %scan3A_185 = %scan3A_129 to %scan3A_131 step %scan3A_132 iter_args(%scan3A_186 = %scan3A) -> (i32)  : i32 {
      %mul3A_187 = arith.constant 16 : i32
      %mul3A_188 = arith.muli %scan3A_185, %mul3A_187 : i32
      %get3A = arith.index_cast %mul3A_188 : i32 to index
      %get3A_189 = tpu.vector_load %arg12[%get3A] {strides = array<i32>} : memref<4096xi32, #tpu.memory_space<vmem>>, vector<16xi32>,
      %ge3A = vector.broadcast %mul3A_2 : i32 to vector<16xi32>
      %ge3A_190 = arith.cmpi sge, %get3A_189, %ge3A : vector<16xi32>
      %add3A_191 = arith.constant 512 : i32
      %add3A_192 = arith.addi %mul3A_2, %add3A_191 : i32
      %lt3A = vector.broadcast %add3A_192 : i32 to vector<16xi32>
      %lt3A_193 = arith.cmpi slt, %get3A_189, %lt3A : vector<16xi32>
      %and3A_194 = arith.andi %ge3A_190, %lt3A_193 : vector<16xi1>
      %convert_element_type3A_195 = arith.extui %and3A_194 : vector<16xi1> to vector<16xi32>
      %reduce_sum3A = arith.constant true
      %reduce_sum3A_196 = vector.broadcast %reduce_sum3A : i1 to vector<16xi1>
      %reduce_sum3A_197 = tpu.scan <sum>, %convert_element_type3A_195 masked %reduce_sum3A_196 : vector<16xi32>, vector<16xi1> -> vector<16xi32>
      %reduce_sum3A_198 = vector.extract %reduce_sum3A_197[15] : i32 from vector<16xi32>
      %gt3A_199 = arith.constant 0 : i32
      %gt3A_200 = arith.cmpi sgt, %reduce_sum3A_198, %gt3A_199 : i32
      %convert_element_type3A_201 = arith.extui %gt3A_200 : i1 to i32
      %cond3A_202 = arith.constant 0 : i32
      %cond3A_203 = arith.cmpi ne, %convert_element_type3A_201, %cond3A_202 : i32
      scf.if %cond3A_203 {
        %unique3A, %unique3A_205 = tpu.scan_count mask(%and3A_194 : vector<16xi1>) value(%get3A_189 : vector<16xi32>) : vector<16xi1>, vector<16xi32>
        %sub3A_206 = vector.broadcast %mul3A_2 : i32 to vector<16xi32>
        %sub3A_207 = arith.subi %get3A_189, %sub3A_206 : vector<16xi32>
        %mul3A_208 = arith.constant 16 : i32
        %mul3A_209 = arith.muli %scan3A_185, %mul3A_208 : i32
        %add3A_210 = vector.broadcast %mul3A_209 : i32 to vector<16xi32>
        %add3A_211 = arith.addi %add3A_210, %iota3A : vector<16xi32>
        tpu.vector_store_idx %arg13[%sub3A_207], %add3A_211 masked %unique3A : memref<512xi32, #tpu.memory_space<vmem>>[vector<16xi32>], vector<16xi32>, vector<16xi1>
      } else {
      }
      %scan3A_204 = arith.constant 0 : i32
      scf.yield %scan3A_204 : i32
    }
    %scan3A_134 = arith.constant 256 : i32
    %scan3A_135 = arith.constant 0 : i32
    %scan3A_136 = arith.constant 0 : i32
    %scan3A_137 = arith.constant 32 : i32
    %scan3A_138 = arith.addi %scan3A_136, %scan3A_137 : i32
    %scan3A_139 = arith.constant 1 : i32
    %scan3A_140 = scf.for %scan3A_185 = %scan3A_136 to %scan3A_138 step %scan3A_139 iter_args(%scan3A_186 = %scan3A_135) -> (i32)  : i32 {
      %mul3A_187 = arith.constant 16 : i32
      %mul3A_188 = arith.muli %scan3A_185, %mul3A_187 : i32
      %get3A = arith.index_cast %mul3A_188 : i32 to index
      %get3A_189 = tpu.vector_load %arg13[%get3A] {strides = array<i32>} : memref<512xi32, #tpu.memory_space<vmem>>, vector<16xi32>,
      %ge3A = arith.constant 0 : i32
      %ge3A_190 = vector.broadcast %ge3A : i32 to vector<16xi32>
      %ge3A_191 = arith.cmpi sge, %get3A_189, %ge3A_190 : vector<16xi32>
      %convert_element_type3A_192 = arith.extui %ge3A_191 : vector<16xi1> to vector<16xi32>
      %reduce_sum3A = arith.constant true
      %reduce_sum3A_193 = vector.broadcast %reduce_sum3A : i1 to vector<16xi1>
      %reduce_sum3A_194 = tpu.scan <sum>, %convert_element_type3A_192 masked %reduce_sum3A_193 : vector<16xi32>, vector<16xi1> -> vector<16xi32>
      %reduce_sum3A_195 = vector.extract %reduce_sum3A_194[15] : i32 from vector<16xi32>
      %swap3A_196 = arith.index_cast %scan3A_186 : i32 to index
      %swap3A_197 = tpu.vector_load %arg14[%swap3A_196] masked %ge3A_191 {strides = array<i32>} : memref<544xi32, #tpu.memory_space<vmem>>, vector<16xi32>, vector<16xi1>
      tpu.vector_store %arg14[%swap3A_196], %get3A_189 masked %ge3A_191 {strides = array<i32>} : memref<544xi32, #tpu.memory_space<vmem>>, vector<16xi32>, vector<16xi1>
      %mul3A_198 = arith.constant 16 : i32
      %mul3A_199 = arith.muli %scan3A_185, %mul3A_198 : i32
      %add3A_200 = arith.addi %mul3A_2, %mul3A_199 : i32
      %add3A_201 = vector.broadcast %add3A_200 : i32 to vector<16xi32>
      %add3A_202 = arith.addi %add3A_201, %iota3A : vector<16xi32>
      %swap3A_203 = arith.index_cast %scan3A_186 : i32 to index
      %swap3A_204 = tpu.vector_load %arg15[%swap3A_203] masked %ge3A_191 {strides = array<i32>} : memref<544xi32, #tpu.memory_space<vmem>>, vector<16xi32>, vector<16xi1>
      tpu.vector_store %arg15[%swap3A_203], %add3A_202 masked %ge3A_191 {strides = array<i32>} : memref<544xi32, #tpu.memory_space<vmem>>, vector<16xi32>, vector<16xi1>
      %add3A_205 = arith.addi %scan3A_186, %reduce_sum3A_195 : i32
      scf.yield %add3A_205 : i32
    }
    %scan3A_141 = arith.constant 32 : i32
    %gt3A = arith.constant 0 : i32
    %gt3A_142 = arith.cmpi sgt, %scan3A_140, %gt3A : i32
    %convert_element_type3A = arith.extui %gt3A_142 : i1 to i32
    %cond3A = arith.constant 0 : i32
    %cond3A_143 = arith.cmpi ne, %convert_element_type3A, %cond3A : i32
    scf.if %cond3A_143 {
      %broadcast_in_dim3A_185 = arith.constant -2147483648 : i32
      %broadcast_in_dim3A_186 = vector.broadcast %broadcast_in_dim3A_185 : i32 to vector<16xi32>
      %broadcast_in_dim3A_187 = arith.constant 0 : i32
      %broadcast_in_dim3A_188 = vector.broadcast %broadcast_in_dim3A_187 : i32 to vector<16xi32>
      %eq3A = arith.constant 0 : i32
      %eq3A_189 = vector.broadcast %eq3A : i32 to vector<16xi32>
      %eq3A_190 = arith.cmpi eq, %iota3A, %eq3A_189 : vector<16xi32>
      %get3A = arith.constant 0 : index
      %get3A_191 = tpu.vector_load %arg14[%get3A] {strides = array<i32>} : memref<544xi32, #tpu.memory_space<vmem>>, vector<16xi32>,
      %select_n3A_192 = arith.select %eq3A_190, %get3A_191, %broadcast_in_dim3A_186 : vector<16xi1>, vector<16xi32>
      %reduce_max3A = arith.constant true
      %reduce_max3A_193 = vector.broadcast %reduce_max3A : i1 to vector<16xi1>
      %reduce_max3A_194 = arith.constant -2147483648 : i32
      %reduce_max3A_195 = vector.broadcast %reduce_max3A_194 : i32 to vector<16xi32>
      %reduce_max3A_196 = arith.xori %select_n3A_192, %reduce_max3A_195 : vector<16xi32>
      %reduce_max3A_197 = tpu.scan <max>, %reduce_max3A_196 masked %reduce_max3A_193 : vector<16xi32>, vector<16xi1> -> vector<16xi32>
      %reduce_max3A_198 = arith.xori %reduce_max3A_197, %reduce_max3A_195 : vector<16xi32>
      %reduce_max3A_199 = vector.extract %reduce_max3A_198[15] : i32 from vector<16xi32>
      %eq3A_200 = arith.constant 0 : i32
      %eq3A_201 = vector.broadcast %eq3A_200 : i32 to vector<16xi32>
      %eq3A_202 = arith.cmpi eq, %iota3A, %eq3A_201 : vector<16xi32>
      %get3A_203 = arith.constant 0 : index
      %get3A_204 = tpu.vector_load %arg15[%get3A_203] {strides = array<i32>} : memref<544xi32, #tpu.memory_space<vmem>>, vector<16xi32>,
      %select_n3A_205 = arith.select %eq3A_202, %get3A_204, %broadcast_in_dim3A_186 : vector<16xi1>, vector<16xi32>
      %reduce_max3A_206 = arith.constant true
      %reduce_max3A_207 = vector.broadcast %reduce_max3A_206 : i1 to vector<16xi1>
      %reduce_max3A_208 = arith.constant -2147483648 : i32
      %reduce_max3A_209 = vector.broadcast %reduce_max3A_208 : i32 to vector<16xi32>
      %reduce_max3A_210 = arith.xori %select_n3A_205, %reduce_max3A_209 : vector<16xi32>
      %reduce_max3A_211 = tpu.scan <max>, %reduce_max3A_210 masked %reduce_max3A_207 : vector<16xi32>, vector<16xi1> -> vector<16xi32>
      %reduce_max3A_212 = arith.xori %reduce_max3A_211, %reduce_max3A_209 : vector<16xi32>
      %reduce_max3A_213 = vector.extract %reduce_max3A_212[15] : i32 from vector<16xi32>
      %add3A_214 = vector.broadcast %reduce_max3A_199 : i32 to vector<16xi32>
      %add3A_215 = arith.addi %broadcast_in_dim3A_188, %add3A_214 : vector<16xi32>
      %swap3A_216 = arith.index_cast %scan3A_140 : i32 to index
      %swap3A_217 = tpu.vector_load %arg14[%swap3A_216] {strides = array<i32>} : memref<544xi32, #tpu.memory_space<vmem>>, vector<16xi32>,
      tpu.vector_store %arg14[%swap3A_216], %add3A_215 {strides = array<i32>} : memref<544xi32, #tpu.memory_space<vmem>>, vector<16xi32>,
      %add3A_218 = vector.broadcast %reduce_max3A_213 : i32 to vector<16xi32>
      %add3A_219 = arith.addi %broadcast_in_dim3A_188, %add3A_218 : vector<16xi32>
      %swap3A_220 = arith.index_cast %scan3A_140 : i32 to index
      %swap3A_221 = tpu.vector_load %arg15[%swap3A_220] {strides = array<i32>} : memref<544xi32, #tpu.memory_space<vmem>>, vector<16xi32>,
      tpu.vector_store %arg15[%swap3A_220], %add3A_219 {strides = array<i32>} : memref<544xi32, #tpu.memory_space<vmem>>, vector<16xi32>,
    } else {
    }
    %mul3A_144 = arith.constant 544 : i32
    %mul3A_145 = arith.muli %add3A, %mul3A_144 : i32
    "tpu.region"() ({
      %run_scoped3A = tpu.sem_alloc : memref<!tpu.dma_semaphore, #tpu.memory_space<semaphore_mem>>
      %dma_start3A = tpu.memref_slice %arg7[%mul3A_145] : memref<17408xi32, #tpu.memory_space<hbm>> -> memref<544xi32, #tpu.memory_space<hbm>>
      %dma_start3A_185 = tpu.memref_slice %arg7[%mul3A_145] : memref<17408xi32, #tpu.memory_space<hbm>> -> memref<544xi32, #tpu.memory_space<hbm>>
      tpu.enqueue_dma source(%arg14 : memref<544xi32, #tpu.memory_space<vmem>>) target(%dma_start3A_185 : memref<544xi32, #tpu.memory_space<hbm>>) target_semaphore(%run_scoped3A : memref<!tpu.dma_semaphore, #tpu.memory_space<semaphore_mem>>)
      %dma_wait3A = tpu.memref_slice %arg7[%mul3A_145] : memref<17408xi32, #tpu.memory_space<hbm>> -> memref<544xi32, #tpu.memory_space<hbm>>
      %dma_wait3A_186 = tpu.memref_slice %arg7[%mul3A_145] : memref<17408xi32, #tpu.memory_space<hbm>> -> memref<544xi32, #tpu.memory_space<hbm>>
      tpu.wait_dma2 semaphore(%run_scoped3A : memref<!tpu.dma_semaphore, #tpu.memory_space<semaphore_mem>>) src(%arg14 : memref<544xi32, #tpu.memory_space<vmem>>) dst(%dma_wait3A_186 : memref<544xi32, #tpu.memory_space<hbm>>)
      tpu.yield
    }) : () -> ()
    %mul3A_146 = arith.constant 544 : i32
    %mul3A_147 = arith.muli %add3A, %mul3A_146 : i32
    "tpu.region"() ({
      %run_scoped3A = tpu.sem_alloc : memref<!tpu.dma_semaphore, #tpu.memory_space<semaphore_mem>>
      %dma_start3A = tpu.memref_slice %arg8[%mul3A_147] : memref<17408xi32, #tpu.memory_space<hbm>> -> memref<544xi32, #tpu.memory_space<hbm>>
      %dma_start3A_185 = tpu.memref_slice %arg8[%mul3A_147] : memref<17408xi32, #tpu.memory_space<hbm>> -> memref<544xi32, #tpu.memory_space<hbm>>
      tpu.enqueue_dma source(%arg15 : memref<544xi32, #tpu.memory_space<vmem>>) target(%dma_start3A_185 : memref<544xi32, #tpu.memory_space<hbm>>) target_semaphore(%run_scoped3A : memref<!tpu.dma_semaphore, #tpu.memory_space<semaphore_mem>>)
      %dma_wait3A = tpu.memref_slice %arg8[%mul3A_147] : memref<17408xi32, #tpu.memory_space<hbm>> -> memref<544xi32, #tpu.memory_space<hbm>>
      %dma_wait3A_186 = tpu.memref_slice %arg8[%mul3A_147] : memref<17408xi32, #tpu.memory_space<hbm>> -> memref<544xi32, #tpu.memory_space<hbm>>
      tpu.wait_dma2 semaphore(%run_scoped3A : memref<!tpu.dma_semaphore, #tpu.memory_space<semaphore_mem>>) src(%arg15 : memref<544xi32, #tpu.memory_space<vmem>>) dst(%dma_wait3A_186 : memref<544xi32, #tpu.memory_space<hbm>>)
      tpu.yield
    }) : () -> ()
    %broadcast_in_dim3A_148 = arith.constant 0 : i32
    %broadcast_in_dim3A_149 = vector.broadcast %broadcast_in_dim3A_148 : i32 to vector<16xi32>
    %add3A_150 = vector.broadcast %scan3A_140 : i32 to vector<16xi32>
    %add3A_151 = arith.addi %broadcast_in_dim3A_149, %add3A_150 : vector<16xi32>
    %swap3A_152 = arith.constant 0 : index
    %swap3A_153 = tpu.vector_load %arg13[%swap3A_152] {strides = array<i32>} : memref<512xi32, #tpu.memory_space<vmem>>, vector<16xi32>,
    tpu.vector_store %arg13[%swap3A_152], %add3A_151 {strides = array<i32>} : memref<512xi32, #tpu.memory_space<vmem>>, vector<16xi32>,
    %mul3A_154 = arith.constant 16 : i32
    %mul3A_155 = arith.muli %add3A, %mul3A_154 : i32
    "tpu.region"() ({
      %run_scoped3A = tpu.sem_alloc : memref<!tpu.dma_semaphore, #tpu.memory_space<semaphore_mem>>
      %dma_start3A = arith.constant 0 : i32
      %dma_start3A_185 = tpu.memref_slice %arg13[%dma_start3A] : memref<512xi32, #tpu.memory_space<vmem>> -> memref<16xi32, #tpu.memory_space<vmem>>
      %dma_start3A_186 = tpu.memref_slice %arg9[%mul3A_155] : memref<512xi32, #tpu.memory_space<hbm>> -> memref<16xi32, #tpu.memory_space<hbm>>
      %dma_start3A_187 = tpu.memref_slice %arg9[%mul3A_155] : memref<512xi32, #tpu.memory_space<hbm>> -> memref<16xi32, #tpu.memory_space<hbm>>
      %dma_start3A_188 = arith.constant 0 : i32
      %dma_start3A_189 = tpu.memref_slice %arg13[%dma_start3A_188] : memref<512xi32, #tpu.memory_space<vmem>> -> memref<16xi32, #tpu.memory_space<vmem>>
      tpu.enqueue_dma source(%dma_start3A_189 : memref<16xi32, #tpu.memory_space<vmem>>) target(%dma_start3A_187 : memref<16xi32, #tpu.memory_space<hbm>>) target_semaphore(%run_scoped3A : memref<!tpu.dma_semaphore, #tpu.memory_space<semaphore_mem>>)
      %dma_wait3A = arith.constant 0 : i32
      %dma_wait3A_190 = tpu.memref_slice %arg13[%dma_wait3A] : memref<512xi32, #tpu.memory_space<vmem>> -> memref<16xi32, #tpu.memory_space<vmem>>
      %dma_wait3A_191 = tpu.memref_slice %arg9[%mul3A_155] : memref<512xi32, #tpu.memory_space<hbm>> -> memref<16xi32, #tpu.memory_space<hbm>>
      %dma_wait3A_192 = tpu.memref_slice %arg9[%mul3A_155] : memref<512xi32, #tpu.memory_space<hbm>> -> memref<16xi32, #tpu.memory_space<hbm>>
      %dma_wait3A_193 = arith.constant 0 : i32
      %dma_wait3A_194 = tpu.memref_slice %arg13[%dma_wait3A_193] : memref<512xi32, #tpu.memory_space<vmem>> -> memref<16xi32, #tpu.memory_space<vmem>>
      tpu.wait_dma2 semaphore(%run_scoped3A : memref<!tpu.dma_semaphore, #tpu.memory_space<semaphore_mem>>) src(%dma_wait3A_194 : memref<16xi32, #tpu.memory_space<vmem>>) dst(%dma_wait3A_192 : memref<16xi32, #tpu.memory_space<hbm>>)
      tpu.yield
    }) : () -> ()
    %add3A_156 = arith.constant 15 : i32
    %add3A_157 = arith.addi %scan3A_140, %add3A_156 : i32
    %jit3A = arith.constant 16 : i32
    %div3A = arith.divsi %add3A_157, %jit3A : i32
    %sign3A = arith.constant 0 : i32
    %sign3A_158 = arith.cmpi sgt, %add3A_157, %sign3A : i32
    %sign3A_159 = arith.extui %sign3A_158 : i1 to i32
    %sign3A_160 = arith.constant 0 : i32
    %sign3A_161 = arith.cmpi slt, %add3A_157, %sign3A_160 : i32
    %sign3A_162 = arith.extui %sign3A_161 : i1 to i32
    %sign3A_163 = arith.subi %sign3A_159, %sign3A_162 : i32
    %sign3A_164 = arith.constant 0 : i32
    %sign3A_165 = arith.cmpi sgt, %jit3A, %sign3A_164 : i32
    %sign3A_166 = arith.extui %sign3A_165 : i1 to i32
    %sign3A_167 = arith.constant 0 : i32
    %sign3A_168 = arith.cmpi slt, %jit3A, %sign3A_167 : i32
    %sign3A_169 = arith.extui %sign3A_168 : i1 to i32
    %sign3A_170 = arith.subi %sign3A_166, %sign3A_169 : i32
    %ne3A = arith.cmpi ne, %sign3A_163, %sign3A_170 : i32
    %rem3A = arith.remsi %add3A_157, %jit3A : i32
    %ne3A_171 = arith.constant 0 : i32
    %ne3A_172 = arith.cmpi ne, %rem3A, %ne3A_171 : i32
    %and3A = arith.andi %ne3A, %ne3A_172 : i1
    %sub3A = arith.constant 1 : i32
    %sub3A_173 = arith.subi %div3A, %sub3A : i32
    %select_n3A = arith.select %and3A, %sub3A_173, %div3A : i32
    %while3A = arith.constant 0 : i32
    %while3A_174 = arith.constant 0 : i32
    %while3A_175 = arith.subi %select_n3A, %while3A : i32
    %while3A_176 = arith.addi %while3A, %while3A_175 : i32
    %while3A_177 = arith.constant 1 : i32
    %while3A_178 = arith.divsi %while3A_175, %while3A_177 : i32
    %while3A_179 = arith.muli %while3A_178, %while3A_177 : i32
    %while3A_180 = arith.addi %while3A, %while3A_179 : i32
    %while3A_181 = arith.constant 1 : i32
    %while3A_182 = scf.for %while3A_185 = %while3A to %while3A_180 step %while3A_181 iter_args(%while3A_186 = %while3A_174) -> (i32)  : i32 {
      %mul3A_187 = arith.constant 16 : i32
      %mul3A_188 = arith.muli %while3A_185, %mul3A_187 : i32
      %get3A = arith.index_cast %mul3A_188 : i32 to index
      %get3A_189 = tpu.vector_load %arg14[%get3A] {strides = array<i32>} : memref<544xi32, #tpu.memory_space<vmem>>, vector<16xi32>,
      %mul3A_190 = arith.constant 16 : i32
      %mul3A_191 = arith.muli %while3A_185, %mul3A_190 : i32
      %get3A_192 = arith.index_cast %mul3A_191 : i32 to index
      %get3A_193 = tpu.vector_load %arg15[%get3A_192] {strides = array<i32>} : memref<544xi32, #tpu.memory_space<vmem>>, vector<16xi32>,
      %sub3A_194 = vector.broadcast %mul3A_2 : i32 to vector<16xi32>
      %sub3A_195 = arith.subi %get3A_193, %sub3A_194 : vector<16xi32>
      %gather3A = tpu.vector_load_idx %arg16[%get3A_189] : memref<4096xi32, #tpu.memory_space<vmem>>[vector<16xi32>], vector<16xi32>,
      tpu.vector_store_idx %arg18[%sub3A_195], %gather3A : memref<512xi32, #tpu.memory_space<vmem>>[vector<16xi32>], vector<16xi32>,
      %gather3A_196 = tpu.vector_load_idx %arg17[%get3A_189] : memref<4096xi32, #tpu.memory_space<vmem>>[vector<16xi32>], vector<16xi32>,
      tpu.vector_store_idx %arg19[%sub3A_195], %gather3A_196 : memref<512xi32, #tpu.memory_space<vmem>>[vector<16xi32>], vector<16xi32>,
      %while3A_197 = arith.constant 0 : i32
      scf.yield %while3A_197 : i32
    }
    %while3A_183 = arith.constant 1 : i32
    %while3A_184 = scf.for %while3A_185 = %while3A_180 to %while3A_176 step %while3A_183 iter_args(%while3A_186 = %while3A_182) -> (i32)  : i32 {
      %mul3A_187 = arith.constant 16 : i32
      %mul3A_188 = arith.muli %while3A_185, %mul3A_187 : i32
      %get3A = arith.index_cast %mul3A_188 : i32 to index
      %get3A_189 = tpu.vector_load %arg14[%get3A] {strides = array<i32>} : memref<544xi32, #tpu.memory_space<vmem>>, vector<16xi32>,
      %mul3A_190 = arith.constant 16 : i32
      %mul3A_191 = arith.muli %while3A_185, %mul3A_190 : i32
      %get3A_192 = arith.index_cast %mul3A_191 : i32 to index
      %get3A_193 = tpu.vector_load %arg15[%get3A_192] {strides = array<i32>} : memref<544xi32, #tpu.memory_space<vmem>>, vector<16xi32>,
      %sub3A_194 = vector.broadcast %mul3A_2 : i32 to vector<16xi32>
      %sub3A_195 = arith.subi %get3A_193, %sub3A_194 : vector<16xi32>
      %gather3A = tpu.vector_load_idx %arg16[%get3A_189] : memref<4096xi32, #tpu.memory_space<vmem>>[vector<16xi32>], vector<16xi32>,
      tpu.vector_store_idx %arg18[%sub3A_195], %gather3A : memref<512xi32, #tpu.memory_space<vmem>>[vector<16xi32>], vector<16xi32>,
      %gather3A_196 = tpu.vector_load_idx %arg17[%get3A_189] : memref<4096xi32, #tpu.memory_space<vmem>>[vector<16xi32>], vector<16xi32>,
      tpu.vector_store_idx %arg19[%sub3A_195], %gather3A_196 : memref<512xi32, #tpu.memory_space<vmem>>[vector<16xi32>], vector<16xi32>,
      %while3A_197 = arith.constant 0 : i32
      scf.yield %while3A_197 : i32
    }
    "tpu.region"() ({
      %run_scoped3A = tpu.sem_alloc : memref<!tpu.dma_semaphore, #tpu.memory_space<semaphore_mem>>
      %dma_start3A = tpu.memref_slice %arg10[%mul3A_2] : memref<16384xi32, #tpu.memory_space<hbm>> -> memref<512xi32, #tpu.memory_space<hbm>>
      %dma_start3A_185 = tpu.memref_slice %arg10[%mul3A_2] : memref<16384xi32, #tpu.memory_space<hbm>> -> memref<512xi32, #tpu.memory_space<hbm>>
      tpu.enqueue_dma source(%arg18 : memref<512xi32, #tpu.memory_space<vmem>>) target(%dma_start3A_185 : memref<512xi32, #tpu.memory_space<hbm>>) target_semaphore(%run_scoped3A : memref<!tpu.dma_semaphore, #tpu.memory_space<semaphore_mem>>)
      %dma_wait3A = tpu.memref_slice %arg10[%mul3A_2] : memref<16384xi32, #tpu.memory_space<hbm>> -> memref<512xi32, #tpu.memory_space<hbm>>
      %dma_wait3A_186 = tpu.memref_slice %arg10[%mul3A_2] : memref<16384xi32, #tpu.memory_space<hbm>> -> memref<512xi32, #tpu.memory_space<hbm>>
      tpu.wait_dma2 semaphore(%run_scoped3A : memref<!tpu.dma_semaphore, #tpu.memory_space<semaphore_mem>>) src(%arg18 : memref<512xi32, #tpu.memory_space<vmem>>) dst(%dma_wait3A_186 : memref<512xi32, #tpu.memory_space<hbm>>)
      tpu.yield
    }) : () -> ()
    "tpu.region"() ({
      %run_scoped3A = tpu.sem_alloc : memref<!tpu.dma_semaphore, #tpu.memory_space<semaphore_mem>>
      %dma_start3A = tpu.memref_slice %arg11[%mul3A_2] : memref<16384xi32, #tpu.memory_space<hbm>> -> memref<512xi32, #tpu.memory_space<hbm>>
      %dma_start3A_185 = tpu.memref_slice %arg11[%mul3A_2] : memref<16384xi32, #tpu.memory_space<hbm>> -> memref<512xi32, #tpu.memory_space<hbm>>
      tpu.enqueue_dma source(%arg19 : memref<512xi32, #tpu.memory_space<vmem>>) target(%dma_start3A_185 : memref<512xi32, #tpu.memory_space<hbm>>) target_semaphore(%run_scoped3A : memref<!tpu.dma_semaphore, #tpu.memory_space<semaphore_mem>>)
      %dma_wait3A = tpu.memref_slice %arg11[%mul3A_2] : memref<16384xi32, #tpu.memory_space<hbm>> -> memref<512xi32, #tpu.memory_space<hbm>>
      %dma_wait3A_186 = tpu.memref_slice %arg11[%mul3A_2] : memref<16384xi32, #tpu.memory_space<hbm>> -> memref<512xi32, #tpu.memory_space<hbm>>
      tpu.wait_dma2 semaphore(%run_scoped3A : memref<!tpu.dma_semaphore, #tpu.memory_space<semaphore_mem>>) src(%arg19 : memref<512xi32, #tpu.memory_space<vmem>>) dst(%dma_wait3A_186 : memref<512xi32, #tpu.memory_space<hbm>>)
      tpu.yield
    }) : () -> ()
    return
  }
}

</mosaic_0001>

<sc_bundles>
// kernel: kernel.4.cloned.1.call-start
scs
__scs_entry_jumppad:
0x0: {  	(pc) =	sbr.rel $0x88, $3  }
0x1: {  	(tag) =	ssettag $0x0;
	lr =	simm.s32 $0x1  }
0x2: {  	[smem:$0x3F9A] =	sst lr;
	_ =	strace $0xD0000000  }
0x3: {  	_ = 	snop  }
0x4: {  	_ = 	snop  }
0x5: {  	_ = 	snop  }
0x6: {  	_ = 	snop  }
0x7: {  	_ = 	snop  }
__scs_overlays_trampoline_lowered:
0x8: {  	[smem:$0x3FA9] =	sst s0  }
0x9: {  	[smem:$0x3FAA] =	sst s1  }
0xa: {  	[smem:$0x3FAB] =	sst s2  }
0xb: {  	[smem:$0x3FAC] =	sst s3  }
0xc: {  	[smem:$0x3FAD] =	sst s4  }
0xd: {  	[smem:$0x3FAE] =	sst s5  }
0xe: {  	[smem:$0x3FAF] =	sst s6  }
0xf: {  	[smem:$0x3FB0] =	sst s7  }
0x10: {  	[smem:$0x3FB1] =	sst s8  }
0x11: {  	[smem:$0x3FB2] =	sst s9;
	s0 =	simm.s32 @!p0 $0x0  }
0x12: {  	s1 =	sld [smem:$0x3F98];
	s0 =	simm.s32 @p0 $0x1  }
0x13: {  	[smem:$0x3FB3] =	sst s0;
	s0 =	simm.s32 @!p1 $0x0  }
0x14: {  	s2 =	sld [smem:$0x3F97];
	s0 =	simm.s32 @p1 $0x1  }
0x15: {  	[smem:$0x3FB4] =	sst s0;
	s0 =	simm.s32 @!p2 $0x0  }
0x16: {  	s3 =	sld [smem:$0x3FDB];
	s0 =	simm.s32 @p2 $0x1  }
0x17: {  	s4 =	simm.s32 $0x1BF5;
	[smem:$0x3FB6] =	sst s0  }
0x18: {  	s0 =	sld [smem:$0x3F99];
	_ =	swait.ge [sflag:s4], $0x0  }
0x19: {  	s7 =	sld [smem:$0x3F9A]  }
0x1a: {  	s8 =	sadd.s32 $0xFFFFE003, lr  }
0x1b: {  	s9 =	sadd.s32 $0xFFFFFEF7, lr;
	s5 =	simm.s32 $0xFFFFFFFF;
	p2 =	slt.u32 s8, $0xFFFFF086  }
0x1c: {  	p1 =	slt.u32 s9, $0xF7A;
	s5 =	simm.s32 @!p2 $0x0  }
0x1d: {  	s5 =	simm.s32 @p1 $0x1;
	p0 =	seq.s32 s7, s2  }
0x1e: {  	s7 =	smul.u32 @!p0 $0xF7A, s2;
	p2 =	seq.s32 @!p0 s5, $0x0  }
0x1f: {  	s9 =	smul.u32 $0xF7A, s1;
	s8 =	simm.s32 @!p0 $0x1BF5;
	p2 =	por !p2, p0  }
0x20: {  	[sflag:s8] =	ssyncset.s32 @!p0 $0xFFFFF086;
	s6 =	sadd.s32 @!p0 s3, s7;
	s7 =	simm.s32 @!p0 $0x108  }
0x21: {  	s3 =	sadd.s32 s3, s9;
	s6 =	sadd.s32 @!p0 $0x88, s6;
	s7 =	simm.s32 @p2 $0x1082  }
0x22: {  	[simem:s7], [sflag:s8] =	dma.local @!p0 [hbm:s6], $0xF7A  }
0x23: {  	s9 =	sor.u32 $0xD0000000, s2;
	s6 =	simm.s32 $0x108;
	_ =	swait.ge @!p0 [sflag:s8], $0x0  }
0x24: {  	s3 =	sadd.s32 $0x88, s3;
	s6 =	simm.s32 @!p1 $0x1082;
	[sflag:s4] =	ssyncset.s32 $0xFFFFF086  }
0x25: {  	[simem:s6], [sflag:s4] =	dma.local [hbm:s3], $0xF7A  }
0x26: {  	[smem:$0x3F9A] =	sst s1;
	(tag) =	ssettag s2;
	_ =	strace s9  }
0x27: {  	s1 =	sld [smem:$0x3FAA]  }
0x28: {  	s2 =	sld [smem:$0x3FAB]  }
0x29: {  	s4 =	sld [smem:$0x3FAD]  }
0x2a: {  	p0 =	seq.s32 s5, $0x0;
	s5 =	sld [smem:$0x3FAE]  }
0x2b: {  	s6 =	sld [smem:$0x3FAF]  }
0x2c: {  	s7 =	sld [smem:$0x3FB0]  }
0x2d: {  	s3 =	simm.s32 $0x108;
	s8 =	sld [smem:$0x3FB1]  }
0x2e: {  	s3 =	simm.s32 @!p0 $0x1082;
	s9 =	sld [smem:$0x3FB2]  }
0x2f: {  	lr =	sadd.s32 s0, s3;
	s0 =	sld [smem:$0x3FA9]  }
0x30: {  	s3 =	sld [smem:$0x3FAC]  }
0x31: {  	[smem:$0x3FB5] =	sst s10  }
0x32: {  	s10 =	sld [smem:$0x3FB3];
	_ =	sdelay $0x3  }
0x33: {  	p0 =	seq.s32 s10, $0x1;
	s10 =	sld [smem:$0x3FB5];
	_ =	sdelay $0x3  }
0x34: {  	[smem:$0x3FB5] =	sst s10  }
0x35: {  	s10 =	sld [smem:$0x3FB4];
	_ =	sdelay $0x3  }
0x36: {  	p1 =	seq.s32 s10, $0x1;
	s10 =	sld [smem:$0x3FB5];
	_ =	sdelay $0x3  }
0x37: {  	[smem:$0x3FB5] =	sst s10  }
0x38: {  	s10 =	sld [smem:$0x3FB6]  }
0x39: {  	_ = 	snop;
	(pc) =	sbr.ind lr, $3  }
0x3a: {  	_ = 	snop  }
0x3b: {  	_ = 	snop  }
0x3c: {  	p2 =	seq.s32 s10, $0x1;
	s10 =	sld [smem:$0x3FB5]  }
0x3d: {  	_ =	shalt  }
0x3e: {  	_ =	shalt  }
0x3f: {  	_ =	shalt  }
0x40: {  	_ =	shalt  }
0x41: {  	_ =	shalt  }
0x42: {  	_ =	shalt  }
0x43: {  	_ =	shalt  }
0x44: {  	_ =	shalt  }
0x45: {  	_ =	shalt  }
0x46: {  	_ =	shalt  }
0x47: {  	_ =	shalt  }
0x48: {  	_ =	shalt  }
0x49: {  	_ =	shalt  }
0x4a: {  	_ =	shalt  }
0x4b: {  	_ =	shalt  }
0x4c: {  	_ =	shalt  }
0x4d: {  	_ =	shalt  }
0x4e: {  	_ =	shalt  }
0x4f: {  	_ =	shalt  }
0x50: {  	_ =	shalt  }
0x51: {  	_ =	shalt  }
0x52: {  	_ =	shalt  }
0x53: {  	_ =	shalt  }
0x54: {  	_ =	shalt  }
0x55: {  	_ =	shalt  }
0x56: {  	_ =	shalt  }
0x57: {  	_ =	shalt  }
0x58: {  	_ =	shalt  }
0x59: {  	_ =	shalt  }
0x5a: {  	_ =	shalt  }
0x5b: {  	_ =	shalt  }
0x5c: {  	_ =	shalt  }
0x5d: {  	_ =	shalt  }
0x5e: {  	_ =	shalt  }
0x5f: {  	_ =	shalt  }
0x60: {  	_ =	shalt  }
0x61: {  	_ =	shalt  }
0x62: {  	_ =	shalt  }
0x63: {  	_ =	shalt  }
0x64: {  	_ =	shalt  }
0x65: {  	_ =	shalt  }
0x66: {  	_ =	shalt  }
0x67: {  	_ =	shalt  }
0x68: {  	_ =	shalt  }
0x69: {  	_ =	shalt  }
0x6a: {  	_ =	shalt  }
0x6b: {  	_ =	shalt  }
0x6c: {  	_ =	shalt  }
0x6d: {  	_ =	shalt  }
0x6e: {  	_ =	shalt  }
0x6f: {  	_ =	shalt  }
0x70: {  	_ =	shalt  }
0x71: {  	_ =	shalt  }
0x72: {  	_ =	shalt  }
0x73: {  	_ =	shalt  }
0x74: {  	_ =	shalt  }
0x75: {  	_ =	shalt  }
0x76: {  	_ =	shalt  }
0x77: {  	_ =	shalt  }
0x78: {  	_ =	shalt  }
0x79: {  	_ =	shalt  }
0x7a: {  	_ =	shalt  }
0x7b: {  	_ =	shalt  }
0x7c: {  	_ =	shalt  }
0x7d: {  	_ =	shalt  }
0x7e: {  	_ =	shalt  }
0x7f: {  	_ =	shalt  }
0x80: {  	_ =	shalt  }
0x81: {  	_ =	shalt  }
0x82: {  	_ =	shalt  }
0x83: {  	_ =	shalt  }
0x84: {  	_ =	shalt  }
0x85: {  	_ =	shalt  }
0x86: {  	_ =	shalt  }
0x87: {  	_ =	shalt  }
.Lfunc_end0:
.L_simem_size_0:
called_computation_lowered:
.L_overlay_start_0:
0x88: {  	s2 =	sld [smem:$0x3FD9]  }
0x89: {  	s3 =	sld [smem:$0x3FFE];
	_ =	sdelay $0x1  }
0x8a: {  	s1 =	srdreg.scid  }
0x8b: {  	s0 =	sand.u32 $0x1, s1  }
0x8c: {  	s14 =	sshll.u32 s0, $0xA;
	s2 =	sadd.s32 s3, s2  }
0x8d: {  	s2 =	sadd.s32 s2, s14  }
0x8e: {  	[smem:$0x3FC1] =	sst s2  }
0x8f: {  	_ = 	snop  }
0x90: {  	s2 =	sld [smem:$0x3FD0]  }
0x91: {  	s15 =	sld [smem:$0x3FC5]  }
0x92: {  	s4 =	sld [smem:$0x3FC4]  }
0x93: {  	s6 =	simm.s32 $0xA;
	s7 =	simm.s32 $0x10;
	s5 =	sld [smem:$0x3FC3]  }
0x94: {  	[smem:s7], [sflag:s6] =	dma.local [hbm:s2], $0x1  }
0x95: {  	_ =	swait.eq [sflag:s6], $0x1  }
0x96: {  	[sflag:s6] =	ssyncset.done $0x0  }
0x97: {  	s16 =	sld [smem:$0x11];
	[sflag:s6] =	ssyncadd.s32 $0xFFFFFFFF  }
0x98: {  	s17 =	sld [smem:$0x12];
	(tm) =	ssettm $0x1  }
0x99: {  	s18 =	sld [smem:$0x3FFB];
	_ =	sdelay $0x3  }
0x9a: {  	_ =	strace s18  }
0x9b: {  	s7 =	sld [smem:$0x3FFC];
	_ =	sdelay $0x3  }
0x9c: {  	_ =	strace s7  }
0x9d: {  	s7 =	sld [smem:$0x3FFD];
	_ =	sdelay $0x3  }
0x9e: {  	_ =	strace s7  }
0x9f: {  	_ =	strace $0x8FFFFFFF  }
0xa0: {  	s19 =	sld [smem:$0x3FDB];
	_ =	sdelay $0x1  }
0xa1: {  	s8 =	simm.s32 $_scs_section_size  }
0xa2: {  	s9 =	simm.s32 $_size__tile_overlayer_lowered;
	s10 =	simm.s32 $_tile_overlayer_lowered  }
0xa3: {  	s22 =	simm.s32 $0x1BFF;
	s21 =	sshll.u32 s10, $0x1;
	s7 =	sadd.s32 s8, s19  }
0xa4: {  	s11 =	simm.s32 $0x0;
	s20 =	sshll.u32 s9, $0x1;
	s9 =	sadd.s32 s21, s7  }
0xa5: {  	[timem:s11], [sflag:s22] =	dma.local [hbm:s9], s20  }
0xa6: {  	_ =	swait.ge [sflag:s22], s20  }
0xa7: {  	s8 =	ssub.s32 $0x0, s20;
	[sflag:s22] =	ssyncset.done $0x0  }
0xa8: {  	[sflag:s22] =	ssyncadd.s32 s8;
	_ =	sdelay $0x1  }
0xa9: {  	s23 =	simm.s32 $0x1B8B  }
0xaa: {  	_ =	swait.ge [sflag:s23], $0x1  }
0xab: {  	[sflag:s23] =	ssyncset.done $0x0  }
0xac: {  	s25 =	simm.s32 $0x1B8E;
	s24 =	sld [smem:$0x3FFE];
	[sflag:s23] =	ssyncadd.s32 $0xFFFFFFFF  }
0xad: {  	s26 =	simm.s32 $execute0_lowered;
	[smem:$0x3FD2] =	sst s25  }
0xae: {  	s9 =	sshll.u32 s26, $0x1;
	_ =	strace $0x80000046;
	[dreg:$0x1] =	wrdreg $0xFFFFFFFF  }
0xaf: {  	s28 =	simm.s32 $_size_execute0_lowered;
	s7 =	sadd.s32 s7, s9;
	[dreg:$0x0] =	wrdreg $0x0  }
0xb0: {  	s9 =	sshll.u32 s28, $0x1;
	[dreg:$0x2] =	wrdreg s7  }
0xb1: {  	[dreg:$0x3] =	wrdreg s9  }
0xb2: {  	[dreg:$0x4] =	wrdreg $0xC0  }
0xb3: {  	_ =	task [dreg:s11], $0x5FFFF  }
0xb4: {  	[dreg:$0x1] =	wrdreg $0xFFFFFFFF  }
0xb5: {  	[dreg:$0x0] =	wrdreg $0x60  }
0xb6: {  	[dreg:$0x2] =	wrdreg s5  }
0xb7: {  	[dreg:$0x3] =	wrdreg s16  }
0xb8: {  	[dreg:$0x4] =	wrdreg s17  }
0xb9: {  	[dreg:$0x5] =	wrdreg s15  }
0xba: {  	[dreg:$0x6] =	wrdreg s4  }
0xbb: {  	[dreg:$0x7] =	wrdreg s24  }
0xbc: {  	[dreg:$0x8] =	wrdreg $0x9  }
0xbd: {  	_ =	task.clear_ibuf [dreg:s11], $0x9FFFF;
	_ =	strace $0x90000046  }
0xbe: {  	s29 =	simm.s32 $0x9;
	_ =	strace $0x80000048  }
0xbf: {  	_ =	swait.ge [sflag:s29], $0x1  }
0xc0: {  	[sflag:s29] =	ssyncadd.s32 $0xFFFFFFFF  }
0xc1: {  	_ =	strace $0x90000048  }
0xc2: {  	_ =	sfence  }
0xc3: {  	s30 =	sld [smem:$0x0];
	_ =	sdelay $0x2  }
0xc4: {  	s31 =	sshll.u32 s1, $0xD;
	s1 =	sshrl.u32 s1, $0x2  }
0xc5: {  	s3 =	sand.u32 $0x4000, s31;
	s1 =	sadd.s32 s1, s30  }
0xc6: {  	s0 =	sor.u32 s3, s0;
	s1 =	sshll.u32 s1, $0x11  }
0xc7: {  	s0 =	sor.u32 s1, s0  }
0xc8: {  	s0 =	sadd.s32 $0x8F2B, s0  }
0xc9: {  	[sflag:s0] =	ssyncadd.remote.s32 $0x1  }
0xca: {  	_ =	sfence.sel $0xFFFF  }
0xcb: {  	[dreg:$0x0] =	wrdreg $0xFFFFFFFF;
	(pc) =	sbr.abs _section_cstart, $3  }
0xcc: {  	[dreg:$0x1] =	wrdreg $0xFFFFFFFF  }
0xcd: {  	_ =	task.clear_ibuf [dreg:s11], $0x2FFFF;
	_ =	strace $0x9FFFFFFF  }
0xce: {  	(tm) =	ssettm $0x7FFFFFFF  }
0xcf: {  	_ =	shalt  }
tec
execute0_lowered:
.L_overlay_start_1:
0x0: {  	(tag) =	ssettag $0x1  }
0x1: {  	s0 =	rddreg [dreg:$0x0]  }
0x2: {  	s6 =	rddreg [dreg:$0x1]  }
0x3: {  	s7 =	rddreg [dreg:$0x2]  }
0x4: {  	s2 =	rddreg [dreg:$0x3]  }
0x5: {  	s4 =	rddreg [dreg:$0x4];
	s3 =	srdreg.scid  }
0x6: {  	s1 =	stileid.u32;
	s8 =	rddreg [dreg:$0x5];
	s5 =	simm.s32 $0x0  }
0x7: {  	s17 =	simm.s32 $0x3900;
	s18 =	simm.s32 $0x1000;
	s19 =	simm.s32 $0x0  }
0x8: {  	s11 =	sand.u32 $0x1, s3;
	s9 =	sshll.u32 s1, $0x1;
	s3 =	rddreg [dreg:$0x6]  }
0x9: {  	[smem:$0x7FF] =	sst s5;
	s31 =	sshll.u32 s1, $0xA;
	s9 =	sor.u32 s11, s9  }
0xa: {  	_ =	strace $0x80000047;
	s12 =	ssub.s32 $0x2, s11;
	s16 =	sshll.u32 s11, $0x9  }
0xb: {  	s10 =	smul.u32 $0x44, s9;
	s13 =	sshll.u32 s9, $0x1;
	s14 =	sshrl.u32 s12, $0x1  }
0xc: {  	s29 =	sshll.u32 s9, $0x6;
	s30 =	sshll.u32 s9, $0x9;
	s13 =	sadd.s32 s13, s8  }
.Ltmp0:
0xd: {  	s12 =	ssub.s32 s12, s14;
	s6 =	sadd.s32 s6, s29;
	(pc) =	sbr.rel .LBB2_1-.Ltmp0, $4  }
0xe: {  	s7 =	sadd.s32 s7, s29;
	s15 =	sadd.s32 $0x200, s30;
	s14 =	simm.s32 $0x1700  }
0xf: {  	s10 =	sadd.s32 s10, s8;
	s11 =	smax.u32 s12, $0x1;
	s12 =	sor.u32 s16, s31  }
0x10: {  	v2 =	vimm.s32 $0xFFFFFFFF;
	v1 =	vmov s15;
	s15 =	simm.s32 $0x2700;
	s16 =	simm.s32 $0x3700;
	s8 =	sadd.s32 $0xC00, s10  }
0x11: {  	v3 =	vimm.s32 $0x0;
	v4 =	vlaneseq.u32;
	v0 =	vmov s30;
	s9 =	sadd.s32 $0x1600, s10;
	s10 =	sadd.s32 $0x2000, s13;
	s13 =	simm.s32 $0x1  }
.LBB2_8:
0x12: {  	_ =	sdelay $0x3  }
0x13: {  	[tilespmem:v5+s17+$0x0] =	vst.idx.msk $0xffff, v6  }
.LBB2_9:
0x14: {  	[hbm4b:s6+s5] =	stream.linear.scatter [tilespmem:s16], [sflag:$0x1], $0x200, $0x38;
	[tilespmem:$0x3B00] =	vst v63  }
0x15: {  	s19 =	sadd.s32 $0x1, s19;
	_ =	swait.ge [sflag:s13], $0x200  }
0x16: {  	p0 =	sne.s32 s19, s11;
	[sflag:s13] =	ssyncset.done $0x0  }
.Ltmp1:
0x17: {  	[sflag:s13] =	ssyncadd.s32 $0xFFFFFE00;
	(pc) =	sbr.rel @!p0 .LBB2_10-.Ltmp1, $4  }
0x18: {  	[hbm4b:s7+s5] =	stream.linear.scatter [tilespmem:s17], [sflag:$0x1], $0x200, $0x38;
	[tilespmem:$0x3B00] =	vst v63  }
0x19: {  	_ =	swait.ge [sflag:s13], $0x200  }
0x1a: {  	[sflag:s13] =	ssyncset.done $0x0  }
0x1b: {  	[sflag:s13] =	ssyncadd.s32 $0xFFFFFE00  }
.LBB2_1:
0x1c: {  	[tilespmem:s5], [sflag:$0x1] =	stream.linear.gather [hbm4b:s0+s5], $0x1000, $0x38;
	[tilespmem:$0x3B00] =	vst v63  }
0x1d: {  	_ =	swait.ge [sflag:s13], $0x1000  }
0x1e: {  	[sflag:s13] =	ssyncset.done $0x0  }
0x1f: {  	[sflag:s13] =	ssyncadd.s32 $0xFFFFF000  }
0x20: {  	[tilespmem:s14], [sflag:$0x1] =	stream.linear.gather [hbm4b:s2+s5], $0x1000, $0x38;
	[tilespmem:$0x3B00] =	vst v63  }
0x21: {  	_ =	swait.ge [sflag:s13], $0x1000  }
0x22: {  	[sflag:s13] =	ssyncset.done $0x0  }
0x23: {  	[sflag:s13] =	ssyncadd.s32 $0xFFFFF000  }
0x24: {  	[tilespmem:s15], [sflag:$0x1] =	stream.linear.gather [hbm4b:s4+s5], $0x1000, $0x38;
	[tilespmem:$0x3B00] =	vst v63  }
0x25: {  	_ =	swait.ge [sflag:s13], $0x1000  }
0x26: {  	[sflag:s13] =	ssyncset.done $0x0  }
0x27: {  	[sflag:s13] =	ssyncadd.s32 $0xFFFFF000  }
0x28: {  	[tilespmem:s16], [sflag:$0x1] =	stream.linear.gather [hbm4b:s6+s5], $0x200, $0x38;
	[tilespmem:$0x3B00] =	vst v63  }
0x29: {  	_ =	swait.ge [sflag:s13], $0x200  }
0x2a: {  	[sflag:s13] =	ssyncset.done $0x0  }
0x2b: {  	[sflag:s13] =	ssyncadd.s32 $0xFFFFFE00  }
0x2c: {  	[tilespmem:s17], [sflag:$0x1] =	stream.linear.gather [hbm4b:s7+s5], $0x200, $0x38;
	[tilespmem:$0x3B00] =	vst v63  }
0x2d: {  	_ =	swait.ge [sflag:s13], $0x200  }
0x2e: {  	[sflag:s13] =	ssyncset.done $0x0  }
0x2f: {  	[sflag:s13] =	ssyncadd.s32 $0xFFFFFE00  }
0x30: {  	[tilespmem:$0x1000] =	vst v2  }
0x31: {  	[tilespmem:$0x1010] =	vst v2  }
0x32: {  	[tilespmem:$0x1020] =	vst v2  }
0x33: {  	[tilespmem:$0x1030] =	vst v2  }
0x34: {  	[tilespmem:$0x1040] =	vst v2  }
0x35: {  	[tilespmem:$0x1050] =	vst v2  }
0x36: {  	[tilespmem:$0x1060] =	vst v2  }
0x37: {  	[tilespmem:$0x1070] =	vst v2  }
0x38: {  	[tilespmem:$0x1080] =	vst v2  }
0x39: {  	[tilespmem:$0x1090] =	vst v2  }
0x3a: {  	[tilespmem:$0x10A0] =	vst v2  }
0x3b: {  	[tilespmem:$0x10B0] =	vst v2  }
0x3c: {  	[tilespmem:$0x10C0] =	vst v2  }
0x3d: {  	[tilespmem:$0x10D0] =	vst v2  }
0x3e: {  	[tilespmem:$0x10E0] =	vst v2  }
0x3f: {  	[tilespmem:$0x10F0] =	vst v2  }
0x40: {  	[tilespmem:$0x1100] =	vst v2  }
0x41: {  	[tilespmem:$0x1110] =	vst v2  }
0x42: {  	[tilespmem:$0x1120] =	vst v2  }
0x43: {  	[tilespmem:$0x1130] =	vst v2  }
0x44: {  	[tilespmem:$0x1140] =	vst v2  }
0x45: {  	[tilespmem:$0x1150] =	vst v2  }
0x46: {  	[tilespmem:$0x1160] =	vst v2  }
0x47: {  	[tilespmem:$0x1170] =	vst v2  }
0x48: {  	[tilespmem:$0x1180] =	vst v2  }
0x49: {  	[tilespmem:$0x1190] =	vst v2  }
0x4a: {  	[tilespmem:$0x11A0] =	vst v2  }
0x4b: {  	[tilespmem:$0x11B0] =	vst v2  }
0x4c: {  	[tilespmem:$0x11C0] =	vst v2  }
0x4d: {  	[tilespmem:$0x11D0] =	vst v2  }
0x4e: {  	[tilespmem:$0x11E0] =	vst v2  }
0x4f: {  	s20 =	simm.s32 $0x0;
	s21 =	simm.s32 $0x0;
	[tilespmem:$0x11F0] =	vst v2  }
.LBB2_2:
0x50: {  	v5 =	vld [tilespmem:s20+$0x0];
	_ =	sdelay $0x4  }
0x51: {  	vm0 =	vge.s32 v5, v0;
	vm1 =	vlt.s32 v5, v1  }
0x52: {  	vm0 =	vmand vm0, vm1  }
0x53: {  	v6 =	vsel vm0, $0x1, v3  }
0x54: {  	(xrf0) =	vadd.scan.msk.s32 $0xffff, v6;
	_ =	sdelay $0x5  }
0x55: {  	v6, _, _ =	vpop (xrf0)  }
0x56: {  	(v2sf) =	vpush v6, $0xF;
	_ =	sdelay $0xe  }
0x57: {  	s22 =	spop (v2sf)  }
0x58: {  	p0 =	slt.s32 s22, $0x1  }
0x59: {  	(xrf1) =	vunique.msk.u32 @!p0 vm0, v5;
	_ =	sdelay $0xa  }
0x5a: {  	v6 =	vsub.s32 @!p0 v5, v0  }
0x5b: {  	v5 =	vand.u32 @!p0 $0x7F, v5;
	v6 =	vand.u32 @!p0 $0xFFFFFF80, v6  }
0x5c: {  	v5 =	vor.u32 @!p0 v5, v6;
	v6 =	vlaneseq.u32 @!p0  }
0x5d: {  	v6 =	vor.u32 @!p0 s21, v6;
	s21 =	sadd.s32 $0x10, s21;
	_, v7, vm0 =	vpop @!p0 (xrf1)  }
0x5e: {  	p1 =	sne.s32 s21, $0x1000  }
.Ltmp2:
0x5f: {  	_ = 	snop;
	(pc) =	sbr.rel @p1 .LBB2_2-.Ltmp2, $3  }
0x60: {  	_ =	sdelay $0x1  }
0x61: {  	s22 =	simm.s32 @!p0 $0x1000  }
0x62: {  	s20 =	sadd.s32 $0x10, s20;
	[tilespmem:v5+s22+$0x0] =	vst.idx.msk @!p0 vm0, v6  }
0x63: {  	s20 =	simm.s32 $0x0  }
0x64: {  	v5 =	vld [tilespmem:s20+$0x1000];
	_ =	sdelay $0x4  }
0x65: {  	vm0 =	vgt.s32 v5, $0xFFFFFFFF  }
0x66: {  	v6 =	vsel vm0, $0x1, v3  }
0x67: {  	(xrf0) =	vadd.scan.msk.s32 $0xffff, v6;
	_ =	sdelay $0x5  }
0x68: {  	v6, _, _ =	vpop (xrf0)  }
0x69: {  	s20 =	simm.s32 $0x0;
	(v2sf) =	vpush v6, $0xF  }
0x6a: {  	[tilespmem:s20+$0x1200] =	vst.msk vm0, v5;
	v5 =	vor.u32 s12, v4  }
0x6b: {  	s23 =	simm.s32 $0x10;
	s22 =	simm.s32 $0x80;
	s21 =	smov.u32 s12;
	[tilespmem:s20+$0x1480] =	vst.msk vm0, v5  }
.LBB2_4:
0x6c: {  	p0 =	sne.s32 s22, $0x7C0;
	v5 =	vld [tilespmem:s23+$0x1000];
	_ =	sdelay $0x4  }
0x6d: {  	vm0 =	vgt.s32 v5, $0xFFFFFFFF  }
0x6e: {  	v6 =	vsel vm0, $0x1, v3  }
0x6f: {  	(xrf0) =	vadd.scan.msk.s32 $0xffff, v6;
	_ =	sdelay $0x4  }
.Ltmp3:
0x70: {  	s23 =	spop (v2sf);
	(pc) =	sbr.rel @p0 .LBB2_4-.Ltmp3, $4  }
0x71: {  	s21 =	sadd.s32 $0x10, s21;
	v6, _, _ =	vpop (xrf0);
	s20 =	sadd.s32 s20, s23  }
0x72: {  	[tilespmem:s20+$0x1200] =	vst.msk vm0, v5;
	v5 =	vor.u32 s21, v4;
	(v2sf) =	vpush v6, $0xF  }
0x73: {  	[tilespmem:s20+$0x1480] =	vst.msk vm0, v5  }
0x74: {  	s23 =	sshra.s32 s22, $0x2;
	s22 =	sadd.s32 $0x40, s22  }
0x75: {  	v5 =	vld [tilespmem:s23+$0x1000];
	_ =	sdelay $0x4  }
0x76: {  	vm0 =	vgt.s32 v5, $0xFFFFFFFF  }
0x77: {  	v6 =	vsel vm0, $0x1, v3  }
0x78: {  	(xrf0) =	vadd.scan.msk.s32 $0xffff, v6;
	_ =	sdelay $0x5  }
0x79: {  	v6, _, _ =	vpop (xrf0)  }
0x7a: {  	(v2sf) =	vpush v6, $0xF;
	_ =	sdelay $0xd  }
0x7b: {  	s22 =	spop (v2sf)  }
0x7c: {  	s21 =	sadd.s32 $0x10, s21;
	s20 =	sadd.s32 s20, s22;
	s29 =	spop (v2sf)  }
0x7d: {  	[tilespmem:s20+$0x1200] =	vst.msk vm0, v5;
	v5 =	vor.u32 s21, v4;
	s22 =	sadd.s32 s20, s29  }
0x7e: {  	[tilespmem:s20+$0x1480] =	vst.msk vm0, v5;
	p0 =	slt.s32 s22, $0x1  }
0x7f: {  	v5 =	vld @!p0 [tilespmem:$0x1200]  }
0x80: {  	v6 =	vld @!p0 [tilespmem:$0x1480];
	_ =	sdelay $0x2  }
0x81: {  	vm0 =	vmmov @!p0 $0x1  }
0x82: {  	v5 =	vnsel @!p0 vm0, $0x80000000, v5  }
0x83: {  	v6 =	vnsel @!p0 vm0, $0x80000000, v6;
	v5 =	vxor.u32 @!p0 $0x80000000, v5  }
0x84: {  	(xrf0) =	vmax.scan.msk.u32 @!p0 $0xffff, v5;
	v5 =	vxor.u32 @!p0 $0x80000000, v6  }
0x85: {  	(xrf0) =	vmax.scan.msk.u32 @!p0 $0xffff, v5;
	_ =	sdelay $0x4  }
0x86: {  	v5, _, _ =	vpop @!p0 (xrf0)  }
0x87: {  	(v2sf) =	vpush @!p0 v5, $0xF;
	v5, _, _ =	vpop @!p0 (xrf0)  }
0x88: {  	(v2sf) =	vpush @!p0 v5, $0xF;
	_ =	sdelay $0xd  }
0x89: {  	s20 =	spop @!p0 (v2sf)  }
0x8a: {  	s20 =	sxor.u32 @!p0 $0x80000000, s20;
	s21 =	spop @!p0 (v2sf)  }
0x8b: {  	s21 =	sxor.u32 @!p0 $0x80000000, s21;
	v5 =	vmov @!p0 s20  }
0x8c: {  	[tilespmem:s22+$0x1200] =	vst @!p0 v5;
	v5 =	vmov @!p0 s21  }
0x8d: {  	s20 =	simm.s32 $0x1200;
	s21 =	simm.s32 $0x1480;
	[tilespmem:s22+$0x1480] =	vst @!p0 v5;
	v5 =	vmov s22;
	s22 =	sadd.s32 $0xF, s22  }
0x8e: {  	[hbm4b:s8+s5] =	stream.linear.scatter [tilespmem:s20], [sflag:$0x1], $0x220, $0x38;
	[tilespmem:$0x3B00] =	vst v63  }
0x8f: {  	s30 =	sand.u32 $0xF, s22;
	s31 =	sshra.s32 s22, $0x1F;
	p1 =	slt.s32 s22, $0x1  }
0x90: {  	_ =	swait.ge [sflag:s13], $0x220;
	p6 =	sne.s32 s30, $0x0;
	s23 =	sshrl.u32 s31, $0x1C  }
0x91: {  	[sflag:s13] =	ssyncset.done $0x0;
	p0 =	por !p1, !p6;
	s22 =	sadd.s32 s23, s22  }
0x92: {  	s23 =	simm.s32 $0x1;
	[sflag:s13] =	ssyncadd.s32 $0xFFFFFDE0;
	p0 =	por !p0, !p0  }
0x93: {  	[hbm4b:s9+s5] =	stream.linear.scatter [tilespmem:s21], [sflag:$0x1], $0x220, $0x38;
	[tilespmem:$0x3B00] =	vst v63  }
0x94: {  	s22 =	sshra.s32 s22, $0x4;
	s23 =	simm.s32 @!p0 $0x0;
	_ =	swait.ge [sflag:s13], $0x220  }
0x95: {  	s22 =	ssub.s32 s22, s23;
	[sflag:s13] =	ssyncset.done $0x0  }
0x96: {  	p0 =	slt.s32 s22, $0x1;
	[sflag:s13] =	ssyncadd.s32 $0xFFFFFDE0  }
.Ltmp4:
0x97: {  	[tilespmem:$0x1000] =	vst v5;
	(pc) =	sbr.rel @p0 .LBB2_9-.Ltmp4, $4  }
0x98: {  	[hbm4b:s10+s5] =	stream.linear.scatter [tilespmem:s18], [sflag:$0x1], $0x10, $0x38;
	[tilespmem:$0x3B00] =	vst v63  }
0x99: {  	_ =	swait.ge [sflag:s13], $0x10  }
0x9a: {  	[sflag:s13] =	ssyncset.done $0x0  }
0x9b: {  	[sflag:s13] =	ssyncadd.s32 $0xFFFFFFF0  }
0x9c: {  	v6 =	vld [tilespmem:s20+$0x0]  }
0x9d: {  	v5 =	vld [tilespmem:s21+$0x0];
	_ =	sdelay $0x4  }
0x9e: {  	v7 =	vsub.s32 v5, v0  }
0x9f: {  	v5 =	vand.u32 $0x7F, v5;
	v7 =	vand.u32 $0xFFFFFF80, v7  }
0xa0: {  	v5 =	vor.u32 v5, v7;
	v8 =	vld.idx.msk [tilespmem:v6+s14+$0x0], $0xffff;
	_ =	sdelay $0x4  }
0xa1: {  	p0 =	sne.s32 s22, $0x1;
	[tilespmem:v5+s16+$0x0] =	vst.idx.msk $0xffff, v8  }
.Ltmp5:
0xa2: {  	v6 =	vld.idx.msk [tilespmem:v6+s15+$0x0], $0xffff;
	(pc) =	sbr.rel @!p0 .LBB2_8-.Ltmp5, $2  }
0xa3: {  	_ =	sdelay $0x2  }
0xa4: {  	s22 =	sadd.s32 $0xFFFFFFFF, s22  }
.LBB2_7:
0xa5: {  	p0 =	sne.s32 s22, $0x1;
	[tilespmem:v5+s17+$0x0] =	vst.idx.msk $0xffff, v6;
	s20 =	sadd.s32 $0x10, s20;
	s21 =	sadd.s32 $0x10, s21  }
0xa6: {  	s22 =	sadd.s32 $0xFFFFFFFF, s22;
	v6 =	vld [tilespmem:s20+$0x0];
	_ =	sdelay $0x1  }
0xa7: {  	v5 =	vld [tilespmem:s21+$0x0];
	_ =	sdelay $0x4  }
0xa8: {  	v7 =	vsub.s32 v5, v0  }
0xa9: {  	v5 =	vand.u32 $0x7F, v5;
	v8 =	vld.idx.msk [tilespmem:v6+s14+$0x0], $0xffff;
	v7 =	vand.u32 $0xFFFFFF80, v7  }
0xaa: {  	v5 =	vor.u32 v5, v7;
	_ =	sdelay $0x1  }
.Ltmp6:
0xab: {  	(pc) =	sbr.rel @p0 .LBB2_7-.Ltmp6, $3  }
0xac: {  	_ =	sdelay $0x1  }
0xad: {  	[tilespmem:v5+s16+$0x0] =	vst.idx.msk $0xffff, v8  }
0xae: {  	v6 =	vld.idx.msk [tilespmem:v6+s15+$0x0], $0xffff  }
.Ltmp7:
0xaf: {  	_ = 	snop;
	(pc) =	sbr.rel .LBB2_8-.Ltmp7, $1  }
0xb0: {  	_ =	sdelay $0x3  }
.LBB2_10:
0xb1: {  	_ =	sfence.sel $0x180000  }
0xb2: {  	[bflag:$0x0] =	sbarrier.arrive $0xFFFF  }
0xb3: {  	p0 =	sne.s32 s1, $0x0;
	_ =	strace $0x90000047  }
0xb4: {  	s0 =	sadd.s32 @!p0 $0x100000, s3;
	[bflag:$0x2] =	sbarrier.arrive $0xFFFF  }
0xb5: {  	[sflag:s0] =	ssyncadd.tile.s32 @!p0 $0x1;
	_ =	shalt  }
.Lfunc_end2:
_tile_overlayer_lowered:
.L_overlay_start_2:
0xb6: {  	(tag) =	ssettag $0x2  }
0xb7: {  	s0 =	rddreg [dreg:$0x0];
	s2 =	stileid.u32  }
0xb8: {  	s1 =	rddreg [dreg:$0x1];
	p0 =	sne.s32 s2, $0x0  }
0xb9: {  	s3 =	rddreg [dreg:$0x2];
	[bflag:$0x3] =	sbarrier.arrive $0xFFFF;
	s2 =	simm.s32 @!p0 $0x1C01  }
0xba: {  	[timem:s3], [sflag:s2] =	dma.local @!p0 [hbm:s0], s1  }
0xbb: {  	s0 =	simm.s32 @!p0 $0x1  }
0xbc: {  	_ =	swait.ge @!p0 [sflag:s0], s1  }
0xbd: {  	s1 =	ssub.s32 @!p0 $0x0, s1;
	[sflag:s0] =	ssyncset.done @!p0 $0x0  }
0xbe: {  	[sflag:s0] =	ssyncadd.s32 @!p0 s1  }
0xbf: {  	[bflag:$0x3] =	sbarrier.arrive $0xFFFF  }
0xc0: {  	_ =	shalt  }

// kernel: kernel.7.cloned.1.call-start
scs
__scs_entry_jumppad:
0x0: {  	(pc) =	sbr.rel $0x88, $3  }
0x1: {  	(tag) =	ssettag $0x0;
	lr =	simm.s32 $0x1  }
0x2: {  	[smem:$0x3F9A] =	sst lr;
	_ =	strace $0xD0000000  }
0x3: {  	_ = 	snop  }
0x4: {  	_ = 	snop  }
0x5: {  	_ = 	snop  }
0x6: {  	_ = 	snop  }
0x7: {  	_ = 	snop  }
__scs_overlays_trampoline_lowered:
0x8: {  	[smem:$0x3FA9] =	sst s0  }
0x9: {  	[smem:$0x3FAA] =	sst s1  }
0xa: {  	[smem:$0x3FAB] =	sst s2  }
0xb: {  	[smem:$0x3FAC] =	sst s3  }
0xc: {  	[smem:$0x3FAD] =	sst s4  }
0xd: {  	[smem:$0x3FAE] =	sst s5  }
0xe: {  	[smem:$0x3FAF] =	sst s6  }
0xf: {  	[smem:$0x3FB0] =	sst s7  }
0x10: {  	[smem:$0x3FB1] =	sst s8  }
0x11: {  	[smem:$0x3FB2] =	sst s9;
	s0 =	simm.s32 @!p0 $0x0  }
0x12: {  	s1 =	sld [smem:$0x3F98];
	s0 =	simm.s32 @p0 $0x1  }
0x13: {  	[smem:$0x3FB3] =	sst s0;
	s0 =	simm.s32 @!p1 $0x0  }
0x14: {  	s2 =	sld [smem:$0x3F97];
	s0 =	simm.s32 @p1 $0x1  }
0x15: {  	[smem:$0x3FB4] =	sst s0;
	s0 =	simm.s32 @!p2 $0x0  }
0x16: {  	s3 =	sld [smem:$0x3FDB];
	s0 =	simm.s32 @p2 $0x1  }
0x17: {  	s4 =	simm.s32 $0x1BF5;
	[smem:$0x3FB6] =	sst s0  }
0x18: {  	s0 =	sld [smem:$0x3F99];
	_ =	swait.ge [sflag:s4], $0x0  }
0x19: {  	s7 =	sld [smem:$0x3F9A]  }
0x1a: {  	s8 =	sadd.s32 $0xFFFFE003, lr  }
0x1b: {  	s9 =	sadd.s32 $0xFFFFFEF7, lr;
	s5 =	simm.s32 $0xFFFFFFFF;
	p2 =	slt.u32 s8, $0xFFFFF086  }
0x1c: {  	p1 =	slt.u32 s9, $0xF7A;
	s5 =	simm.s32 @!p2 $0x0  }
0x1d: {  	s5 =	simm.s32 @p1 $0x1;
	p0 =	seq.s32 s7, s2  }
0x1e: {  	s7 =	smul.u32 @!p0 $0xF7A, s2;
	p2 =	seq.s32 @!p0 s5, $0x0  }
0x1f: {  	s9 =	smul.u32 $0xF7A, s1;
	s8 =	simm.s32 @!p0 $0x1BF5;
	p2 =	por !p2, p0  }
0x20: {  	[sflag:s8] =	ssyncset.s32 @!p0 $0xFFFFF086;
	s6 =	sadd.s32 @!p0 s3, s7;
	s7 =	simm.s32 @!p0 $0x108  }
0x21: {  	s3 =	sadd.s32 s3, s9;
	s6 =	sadd.s32 @!p0 $0x88, s6;
	s7 =	simm.s32 @p2 $0x1082  }
0x22: {  	[simem:s7], [sflag:s8] =	dma.local @!p0 [hbm:s6], $0xF7A  }
0x23: {  	s9 =	sor.u32 $0xD0000000, s2;
	s6 =	simm.s32 $0x108;
	_ =	swait.ge @!p0 [sflag:s8], $0x0  }
0x24: {  	s3 =	sadd.s32 $0x88, s3;
	s6 =	simm.s32 @!p1 $0x1082;
	[sflag:s4] =	ssyncset.s32 $0xFFFFF086  }
0x25: {  	[simem:s6], [sflag:s4] =	dma.local [hbm:s3], $0xF7A  }
0x26: {  	[smem:$0x3F9A] =	sst s1;
	(tag) =	ssettag s2;
	_ =	strace s9  }
0x27: {  	s1 =	sld [smem:$0x3FAA]  }
0x28: {  	s2 =	sld [smem:$0x3FAB]  }
0x29: {  	s4 =	sld [smem:$0x3FAD]  }
0x2a: {  	p0 =	seq.s32 s5, $0x0;
	s5 =	sld [smem:$0x3FAE]  }
0x2b: {  	s6 =	sld [smem:$0x3FAF]  }
0x2c: {  	s7 =	sld [smem:$0x3FB0]  }
0x2d: {  	s3 =	simm.s32 $0x108;
	s8 =	sld [smem:$0x3FB1]  }
0x2e: {  	s3 =	simm.s32 @!p0 $0x1082;
	s9 =	sld [smem:$0x3FB2]  }
0x2f: {  	lr =	sadd.s32 s0, s3;
	s0 =	sld [smem:$0x3FA9]  }
0x30: {  	s3 =	sld [smem:$0x3FAC]  }
0x31: {  	[smem:$0x3FB5] =	sst s10  }
0x32: {  	s10 =	sld [smem:$0x3FB3];
	_ =	sdelay $0x3  }
0x33: {  	p0 =	seq.s32 s10, $0x1;
	s10 =	sld [smem:$0x3FB5];
	_ =	sdelay $0x3  }
0x34: {  	[smem:$0x3FB5] =	sst s10  }
0x35: {  	s10 =	sld [smem:$0x3FB4];
	_ =	sdelay $0x3  }
0x36: {  	p1 =	seq.s32 s10, $0x1;
	s10 =	sld [smem:$0x3FB5];
	_ =	sdelay $0x3  }
0x37: {  	[smem:$0x3FB5] =	sst s10  }
0x38: {  	s10 =	sld [smem:$0x3FB6]  }
0x39: {  	_ = 	snop;
	(pc) =	sbr.ind lr, $3  }
0x3a: {  	_ = 	snop  }
0x3b: {  	_ = 	snop  }
0x3c: {  	p2 =	seq.s32 s10, $0x1;
	s10 =	sld [smem:$0x3FB5]  }
0x3d: {  	_ =	shalt  }
0x3e: {  	_ =	shalt  }
0x3f: {  	_ =	shalt  }
0x40: {  	_ =	shalt  }
0x41: {  	_ =	shalt  }
0x42: {  	_ =	shalt  }
0x43: {  	_ =	shalt  }
0x44: {  	_ =	shalt  }
0x45: {  	_ =	shalt  }
0x46: {  	_ =	shalt  }
0x47: {  	_ =	shalt  }
0x48: {  	_ =	shalt  }
0x49: {  	_ =	shalt  }
0x4a: {  	_ =	shalt  }
0x4b: {  	_ =	shalt  }
0x4c: {  	_ =	shalt  }
0x4d: {  	_ =	shalt  }
0x4e: {  	_ =	shalt  }
0x4f: {  	_ =	shalt  }
0x50: {  	_ =	shalt  }
0x51: {  	_ =	shalt  }
0x52: {  	_ =	shalt  }
0x53: {  	_ =	shalt  }
0x54: {  	_ =	shalt  }
0x55: {  	_ =	shalt  }
0x56: {  	_ =	shalt  }
0x57: {  	_ =	shalt  }
0x58: {  	_ =	shalt  }
0x59: {  	_ =	shalt  }
0x5a: {  	_ =	shalt  }
0x5b: {  	_ =	shalt  }
0x5c: {  	_ =	shalt  }
0x5d: {  	_ =	shalt  }
0x5e: {  	_ =	shalt  }
0x5f: {  	_ =	shalt  }
0x60: {  	_ =	shalt  }
0x61: {  	_ =	shalt  }
0x62: {  	_ =	shalt  }
0x63: {  	_ =	shalt  }
0x64: {  	_ =	shalt  }
0x65: {  	_ =	shalt  }
0x66: {  	_ =	shalt  }
0x67: {  	_ =	shalt  }
0x68: {  	_ =	shalt  }
0x69: {  	_ =	shalt  }
0x6a: {  	_ =	shalt  }
0x6b: {  	_ =	shalt  }
0x6c: {  	_ =	shalt  }
0x6d: {  	_ =	shalt  }
0x6e: {  	_ =	shalt  }
0x6f: {  	_ =	shalt  }
0x70: {  	_ =	shalt  }
0x71: {  	_ =	shalt  }
0x72: {  	_ =	shalt  }
0x73: {  	_ =	shalt  }
0x74: {  	_ =	shalt  }
0x75: {  	_ =	shalt  }
0x76: {  	_ =	shalt  }
0x77: {  	_ =	shalt  }
0x78: {  	_ =	shalt  }
0x79: {  	_ =	shalt  }
0x7a: {  	_ =	shalt  }
0x7b: {  	_ =	shalt  }
0x7c: {  	_ =	shalt  }
0x7d: {  	_ =	shalt  }
0x7e: {  	_ =	shalt  }
0x7f: {  	_ =	shalt  }
0x80: {  	_ =	shalt  }
0x81: {  	_ =	shalt  }
0x82: {  	_ =	shalt  }
0x83: {  	_ =	shalt  }
0x84: {  	_ =	shalt  }
0x85: {  	_ =	shalt  }
0x86: {  	_ =	shalt  }
0x87: {  	_ =	shalt  }
.Lfunc_end0:
.L_simem_size_0:
called_computation.1_lowered:
.L_overlay_start_0:
0x88: {  	s2 =	sld [smem:$0x3FD9]  }
0x89: {  	s3 =	sld [smem:$0x3FFE];
	_ =	sdelay $0x1  }
0x8a: {  	s1 =	srdreg.scid  }
0x8b: {  	s0 =	sand.u32 $0x1, s1  }
0x8c: {  	s14 =	sshll.u32 s0, $0xA;
	s2 =	sadd.s32 s3, s2  }
0x8d: {  	s2 =	sadd.s32 s2, s14  }
0x8e: {  	[smem:$0x3FC1] =	sst s2  }
0x8f: {  	_ = 	snop  }
0x90: {  	s2 =	sld [smem:$0x3FD0];
	_ =	sdelay $0x2  }
0x91: {  	s15 =	simm.s32 $0xA;
	s4 =	simm.s32 $0x10  }
0x92: {  	[smem:s4], [sflag:s15] =	dma.local [hbm:s2], $0x1  }
0x93: {  	_ =	swait.eq [sflag:s15], $0x1  }
0x94: {  	[sflag:s15] =	ssyncset.done $0x0  }
0x95: {  	[sflag:s15] =	ssyncadd.s32 $0xFFFFFFFF  }
0x96: {  	s16 =	sld [smem:$0x10];
	(tm) =	ssettm $0x1  }
0x97: {  	s17 =	sld [smem:$0x3FFB];
	_ =	sdelay $0x3  }
0x98: {  	_ =	strace s17  }
0x99: {  	s3 =	sld [smem:$0x3FFC];
	_ =	sdelay $0x3  }
0x9a: {  	_ =	strace s3  }
0x9b: {  	s3 =	sld [smem:$0x3FFD];
	_ =	sdelay $0x3  }
0x9c: {  	_ =	strace s3  }
0x9d: {  	_ =	strace $0x8FFFFFFF  }
0x9e: {  	s18 =	sld [smem:$0x3FDB];
	_ =	sdelay $0x1  }
0x9f: {  	s19 =	simm.s32 $_scs_section_size  }
0xa0: {  	s5 =	simm.s32 $_size__tile_overlayer_lowered;
	s6 =	simm.s32 $_tile_overlayer_lowered  }
0xa1: {  	s22 =	simm.s32 $0x1BFF;
	s21 =	sshll.u32 s6, $0x1;
	s3 =	sadd.s32 s19, s18  }
0xa2: {  	s7 =	simm.s32 $0x0;
	s20 =	sshll.u32 s5, $0x1;
	s5 =	sadd.s32 s21, s3  }
0xa3: {  	[timem:s7], [sflag:s22] =	dma.local [hbm:s5], s20  }
0xa4: {  	_ =	swait.ge [sflag:s22], s20  }
0xa5: {  	s4 =	ssub.s32 $0x0, s20;
	[sflag:s22] =	ssyncset.done $0x0  }
0xa6: {  	[sflag:s22] =	ssyncadd.s32 s4;
	_ =	sdelay $0x1  }
0xa7: {  	s23 =	simm.s32 $0x1B8B  }
0xa8: {  	_ =	swait.ge [sflag:s23], $0x1  }
0xa9: {  	[sflag:s23] =	ssyncset.done $0x0  }
0xaa: {  	s25 =	simm.s32 $0x1B8E;
	s24 =	sld [smem:$0x3FFE];
	[sflag:s23] =	ssyncadd.s32 $0xFFFFFFFF  }
0xab: {  	s26 =	simm.s32 $execute0_lowered;
	[smem:$0x3FD2] =	sst s25  }
0xac: {  	s5 =	sshll.u32 s26, $0x1;
	_ =	strace $0x80000049;
	[dreg:$0x1] =	wrdreg $0xFFFFFFFF  }
0xad: {  	s28 =	simm.s32 $_size_execute0_lowered;
	s3 =	sadd.s32 s3, s5;
	[dreg:$0x0] =	wrdreg $0x0  }
0xae: {  	s5 =	sshll.u32 s28, $0x1;
	[dreg:$0x2] =	wrdreg s3  }
0xaf: {  	[dreg:$0x3] =	wrdreg s5  }
0xb0: {  	[dreg:$0x4] =	wrdreg $0xC0  }
0xb1: {  	_ =	task [dreg:s7], $0x5FFFF  }
0xb2: {  	[dreg:$0x1] =	wrdreg $0xFFFFFFFF  }
0xb3: {  	[dreg:$0x0] =	wrdreg $0x60  }
0xb4: {  	[dreg:$0x2] =	wrdreg s16  }
0xb5: {  	[dreg:$0x3] =	wrdreg s24  }
0xb6: {  	[dreg:$0x4] =	wrdreg $0x9  }
0xb7: {  	_ =	task.clear_ibuf [dreg:s7], $0x5FFFF;
	_ =	strace $0x90000049  }
0xb8: {  	s29 =	simm.s32 $0x9;
	_ =	strace $0x8000004B  }
0xb9: {  	_ =	swait.ge [sflag:s29], $0x1  }
0xba: {  	[sflag:s29] =	ssyncadd.s32 $0xFFFFFFFF  }
0xbb: {  	_ =	strace $0x9000004B  }
0xbc: {  	_ =	sfence  }
0xbd: {  	s30 =	sld [smem:$0x0];
	_ =	sdelay $0x2  }
0xbe: {  	s31 =	sshll.u32 s1, $0xD;
	s1 =	sshrl.u32 s1, $0x2  }
0xbf: {  	s3 =	sand.u32 $0x4000, s31;
	s1 =	sadd.s32 s1, s30  }
0xc0: {  	s0 =	sor.u32 s3, s0;
	s1 =	sshll.u32 s1, $0x11  }
0xc1: {  	s0 =	sor.u32 s1, s0  }
0xc2: {  	s0 =	sadd.s32 $0x8F2B, s0  }
0xc3: {  	[sflag:s0] =	ssyncadd.remote.s32 $0x1  }
0xc4: {  	_ =	sfence.sel $0xFFFF  }
0xc5: {  	[dreg:$0x0] =	wrdreg $0xFFFFFFFF;
	(pc) =	sbr.abs _section_cstart, $3  }
0xc6: {  	[dreg:$0x1] =	wrdreg $0xFFFFFFFF  }
0xc7: {  	_ =	task.clear_ibuf [dreg:s7], $0x2FFFF;
	_ =	strace $0x9FFFFFFF  }
0xc8: {  	(tm) =	ssettm $0x7FFFFFFF  }
0xc9: {  	_ =	shalt  }
tec
execute0_lowered:
.L_overlay_start_1:
0x0: {  	(tag) =	ssettag $0x1  }
0x1: {  	s25 =	rddreg [dreg:$0x0]  }
0x2: {  	s1 =	rddreg [dreg:$0x1];
	s3 =	simm.s32 $0x0  }
0x3: {  	[smem:$0x7FF] =	sst s3;
	s10 =	sadd.s32 $0x100, s25  }
0x4: {  	s11 =	sadd.s32 $0x200, s25;
	_ =	strace $0x8000004A;
	[dreg:$0x13] =	wrdreg s10  }
0x5: {  	s12 =	sadd.s32 $0x300, s25;
	[dreg:$0x14] =	wrdreg s11  }
0x6: {  	s13 =	sadd.s32 $0x400, s25;
	[dreg:$0x15] =	wrdreg s12  }
0x7: {  	s14 =	sadd.s32 $0x500, s25;
	[dreg:$0x16] =	wrdreg s13  }
0x8: {  	s15 =	sadd.s32 $0x600, s25;
	[dreg:$0x17] =	wrdreg s14  }
0x9: {  	s16 =	sadd.s32 $0x2300, s1;
	[dreg:$0x18] =	wrdreg s15  }
0xa: {  	s17 =	sadd.s32 $0x2400, s1;
	[dreg:$0x8] =	wrdreg s16  }
0xb: {  	s0 =	srdreg.scid;
	s18 =	sadd.s32 $0x2500, s1;
	[dreg:$0x9] =	wrdreg s17  }
0xc: {  	s2 =	stileid.u32;
	s19 =	sadd.s32 $0x2600, s1;
	[dreg:$0xa] =	wrdreg s18  }
0xd: {  	s0 =	sand.u32 $0x1, s0;
	s20 =	sadd.s32 $0x2700, s1;
	[dreg:$0xb] =	wrdreg s19  }
0xe: {  	s4 =	sshll.u32 s2, $0x1;
	s21 =	sadd.s32 $0x2800, s1;
	[dreg:$0xc] =	wrdreg s20  }
0xf: {  	s22 =	sadd.s32 $0x2900, s1;
	s23 =	sadd.s32 $0x2A00, s1;
	[dreg:$0xd] =	wrdreg s21  }
0x10: {  	s24 =	sadd.s32 $0x2B00, s1;
	s26 =	sadd.s32 $0x2C00, s1;
	[dreg:$0xe] =	wrdreg s22  }
0x11: {  	s28 =	sadd.s32 $0x800, s25;
	s29 =	sadd.s32 $0x900, s25;
	[dreg:$0xf] =	wrdreg s23  }
0x12: {  	s30 =	sadd.s32 $0xA00, s25;
	s31 =	sadd.s32 $0xB00, s25;
	[dreg:$0x10] =	wrdreg s24  }
0x13: {  	s4 =	sor.u32 s0, s4;
	s0 =	ssub.s32 $0x2, s0;
	[dreg:$0x11] =	wrdreg s26  }
0x14: {  	s5 =	smul.u32 $0x44, s4;
	s4 =	sshll.u32 s4, $0x1;
	s7 =	sshrl.u32 s0, $0x1  }
0x15: {  	s6 =	sadd.s32 s4, s1;
	s4 =	sadd.s32 $0x2200, s1;
	s0 =	ssub.s32 s0, s7  }
0x16: {  	s5 =	sadd.s32 s5, s1;
	[dreg:$0x7] =	wrdreg s4;
	s9 =	sadd.s32 $0x2000, s6  }
.Ltmp0:
0x17: {  	s1 =	sadd.s32 $0x2D00, s1;
	[dreg:$0x5] =	wrdreg s9;
	(pc) =	sbr.rel .LBB2_1-.Ltmp0, $4  }
0x18: {  	s22 =	simm.s32 $0x4D80;
	s0 =	smax.u32 s0, $0x1;
	[dreg:$0x12] =	wrdreg s1  }
0x19: {  	v2 =	vlaneseq.u32;
	s23 =	simm.s32 $0x5580;
	s7 =	sadd.s32 $0xC00, s5;
	[dreg:$0x6] =	wrdreg s0  }
0x1a: {  	vm0 =	vmmov $0xffff;
	v1 =	vshrl.u32 v2, $0x3;
	s24 =	simm.s32 $0x5D80;
	s8 =	sadd.s32 $0x1600, s5;
	[dreg:$0x3] =	wrdreg s7  }
0x1b: {  	v0 =	vand.u32 $0x7, v2;
	v2 =	vor.u32 $0x8, v2;
	v1 =	vmul.u32 $0x8, v1;
	s1 =	simm.s32 $0x0;
	[dreg:$0x4] =	wrdreg s8;
	s8 =	sadd.s32 $0x700, s25  }
.LBB2_6:
0x1c: {  	s1 =	rddreg [dreg:$0x19]  }
0x1d: {  	s0 =	rddreg [dreg:$0x6];
	s1 =	sadd.s32 $0x1, s1  }
0x1e: {  	p0 =	sne.s32 s1, s0  }
.Ltmp1:
0x1f: {  	_ = 	snop;
	(pc) =	sbr.rel @!p0 .LBB2_7-.Ltmp1, $1  }
0x20: {  	_ =	sdelay $0x3  }
.LBB2_1:
0x21: {  	[dreg:$0x19] =	wrdreg s1  }
0x22: {  	s0 =	rddreg [dreg:$0x3];
	s16 =	simm.s32 $0x3  }
0x23: {  	[tilespmem:s3], [sflag:$0x3] =	stream.linear.gather [hbm4b:s0+s3], $0x220, $0x38;
	[tilespmem:$0x18580] =	vst v63  }
0x24: {  	_ =	swait.ge [sflag:s16], $0x220  }
0x25: {  	[sflag:s16] =	ssyncset.done $0x0  }
0x26: {  	s2 =	simm.s32 $0x280;
	s17 =	rddreg [dreg:$0x4];
	[sflag:s16] =	ssyncadd.s32 $0xFFFFFDE0  }
0x27: {  	[tilespmem:s2], [sflag:$0x3] =	stream.linear.gather [hbm4b:s17+s3], $0x220, $0x38;
	[tilespmem:$0x18580] =	vst v63  }
0x28: {  	_ =	swait.ge [sflag:s16], $0x220  }
0x29: {  	[sflag:s16] =	ssyncset.done $0x0  }
0x2a: {  	s19 =	simm.s32 $0x500;
	s18 =	rddreg [dreg:$0x5];
	[sflag:s16] =	ssyncadd.s32 $0xFFFFFDE0  }
0x2b: {  	[tilespmem:s19], [sflag:$0x3] =	stream.linear.gather [hbm4b:s18+s3], $0x10, $0x38;
	[tilespmem:$0x18580] =	vst v63  }
0x2c: {  	_ =	swait.ge [sflag:s16], $0x10  }
0x2d: {  	[sflag:s16] =	ssyncset.done $0x0  }
0x2e: {  	[sflag:s16] =	ssyncadd.s32 $0xFFFFFFF0  }
0x2f: {  	v3 =	vld [tilespmem:$0x500];
	_ =	sdelay $0x4  }
0x30: {  	v3 =	vxor.u32 $0x80000000, v3  }
0x31: {  	(xrf0) =	vmax.scan.msk.u32 $0xffff, v3;
	_ =	sdelay $0x5  }
0x32: {  	v3, _, _ =	vpop (xrf0)  }
0x33: {  	(v2sf) =	vpush v3, $0xF;
	_ =	sdelay $0xe  }
0x34: {  	s5 =	spop (v2sf)  }
0x35: {  	s5 =	sadd.s32 $0x8000000F, s5  }
0x36: {  	s6 =	sand.u32 $0xF, s5  }
0x37: {  	s7 =	sshra.s32 s5, $0x1F;
	p0 =	slt.s32 s5, $0x1;
	p1 =	sne.s32 s6, $0x0  }
0x38: {  	s20 =	sshrl.u32 s7, $0x1C;
	p0 =	por !p0, !p1  }
0x39: {  	s6 =	simm.s32 $0x1;
	s5 =	sadd.s32 s20, s5;
	p0 =	por !p0, !p0  }
0x3a: {  	s5 =	sshra.s32 s5, $0x4;
	s6 =	simm.s32 @!p0 $0x0  }
0x3b: {  	s21 =	ssub.s32 s5, s6  }
0x3c: {  	s5 =	sadd.s32 $0x1, s21  }
0x3d: {  	s25 =	sand.u32 $0x1, s5  }
0x3e: {  	p5 =	slt.s32 s21, $0x0;
	p6 =	seq.s32 s25, $0x1  }
0x3f: {  	s26 =	sshrl.u32 s5, $0x1F;
	p0 =	por !p5, !p6  }
0x40: {  	s6 =	simm.s32 $0x1;
	s5 =	sadd.s32 s26, s5;
	p0 =	por !p0, !p0  }
0x41: {  	s5 =	sshra.s32 s5, $0x1;
	s6 =	simm.s32 @!p0 $0x0  }
0x42: {  	s6 =	ssub.s32 s5, s6  }
0x43: {  	p0 =	slt.s32 s6, $0x1  }
.Ltmp2:
0x44: {  	_ = 	snop;
	(pc) =	sbr.rel @p0 .LBB2_6-.Ltmp2, $2  }
0x45: {  	_ =	sdelay $0x2  }
0x46: {  	[dreg:$0x1a] =	wrdreg s21  }
.Ltmp3:
0x47: {  	(pc) =	sbr.rel .LBB2_3-.Ltmp3, $2  }
0x48: {  	_ =	sdelay $0x2  }
0x49: {  	s7 =	simm.s32 $0x10;
	s25 =	simm.s32 $0x290;
	s5 =	simm.s32 $0x1  }
.LBB2_5:
0x4a: {  	s6 =	sadd.s32 $0xFFFFFFFF, s6  }
0x4b: {  	p0 =	sne.s32 s6, $0x0  }
.Ltmp4:
0x4c: {  	_ = 	snop;
	(pc) =	sbr.rel @!p0 .LBB2_6-.Ltmp4, $2  }
0x4d: {  	_ =	sdelay $0x2  }
0x4e: {  	s7 =	sadd.s32 $0x20, s7;
	s25 =	sadd.s32 $0x20, s25;
	s5 =	sadd.s32 $0x2, s5  }
.LBB2_3:
0x4f: {  	v3 =	vld [tilespmem:s7+$0xFFFFFFF0];
	_ =	sdelay $0x4  }
0x50: {  	v4 =	vshrl.u32 v3, $0x3  }
0x51: {  	v4 =	vmul.u32 $0xC0, v4  }
0x52: {  	v3 =	vand.u32 $0x7, v3  }
0x53: {  	v3 =	vor.u32 v3, v4  }
0x54: {  	v4 =	vperm.xlane v3, v0;
	_ =	sdelay $0x1  }
0x55: {  	v4 =	vadd.s32 v1, v4;
	_ =	sdelay $0x3  }
0x56: {  	s1 =	rddreg [dreg:$0x0];
	s4 =	simm.s32 $0x580  }
0x57: {  	[tilespmem:s4], [sflag:$0x1] =	stream.indirect_vreg.gather [hbm4b:s1+s3], $0x80, v4, vm0, $0xb8;
	[tilespmem:$0x18580] =	vst v63  }
0x58: {  	s14 =	simm.s32 $0xD80;
	s9 =	rddreg [dreg:$0x13]  }
0x59: {  	[tilespmem:s14], [sflag:$0x1] =	stream.indirect_vreg.gather [hbm4b:s9+s3], $0x80, v4, vm0, $0xb8;
	[tilespmem:$0x18580] =	vst v63  }
0x5a: {  	s15 =	simm.s32 $0x1580;
	s10 =	rddreg [dreg:$0x14]  }
0x5b: {  	[tilespmem:s15], [sflag:$0x1] =	stream.indirect_vreg.gather [hbm4b:s10+s3], $0x80, v4, vm0, $0xb8;
	[tilespmem:$0x18580] =	vst v63  }
0x5c: {  	s16 =	simm.s32 $0x1D80;
	s11 =	rddreg [dreg:$0x15]  }
0x5d: {  	[tilespmem:s16], [sflag:$0x1] =	stream.indirect_vreg.gather [hbm4b:s11+s3], $0x80, v4, vm0, $0xb8;
	[tilespmem:$0x18580] =	vst v63  }
0x5e: {  	s17 =	simm.s32 $0x2580;
	s12 =	rddreg [dreg:$0x16]  }
0x5f: {  	[tilespmem:s17], [sflag:$0x1] =	stream.indirect_vreg.gather [hbm4b:s12+s3], $0x80, v4, vm0, $0xb8;
	[tilespmem:$0x18580] =	vst v63  }
0x60: {  	s18 =	simm.s32 $0x2D80;
	s13 =	rddreg [dreg:$0x17]  }
0x61: {  	[tilespmem:s18], [sflag:$0x1] =	stream.indirect_vreg.gather [hbm4b:s13+s3], $0x80, v4, vm0, $0xb8;
	[tilespmem:$0x18580] =	vst v63  }
0x62: {  	s19 =	simm.s32 $0x3580;
	s26 =	rddreg [dreg:$0x18]  }
0x63: {  	[tilespmem:s19], [sflag:$0x1] =	stream.indirect_vreg.gather [hbm4b:s26+s3], $0x80, v4, vm0, $0xb8;
	[tilespmem:$0x18580] =	vst v63  }
0x64: {  	s20 =	simm.s32 $0x3D80  }
0x65: {  	[tilespmem:s20], [sflag:$0x1] =	stream.indirect_vreg.gather [hbm4b:s8+s3], $0x80, v4, vm0, $0xb8;
	[tilespmem:$0x18580] =	vst v63  }
0x66: {  	s21 =	simm.s32 $0x4580  }
0x67: {  	[tilespmem:s21], [sflag:$0x1] =	stream.indirect_vreg.gather [hbm4b:s28+s3], $0x80, v4, vm0, $0xb8;
	[tilespmem:$0x18580] =	vst v63  }
0x68: {  	v3 =	vperm.xlane v3, v2  }
0x69: {  	[tilespmem:s22], [sflag:$0x1] =	stream.indirect_vreg.gather [hbm4b:s29+s3], $0x80, v4, vm0, $0xb8;
	[tilespmem:$0x18580] =	vst v63  }
0x6a: {  	v3 =	vadd.s32 v1, v3  }
0x6b: {  	[tilespmem:s23], [sflag:$0x1] =	stream.indirect_vreg.gather [hbm4b:s30+s3], $0x80, v4, vm0, $0xb8;
	[tilespmem:$0x18580] =	vst v63  }
0x6c: {  	_ = 	snop  }
0x6d: {  	[tilespmem:s24], [sflag:$0x1] =	stream.indirect_vreg.gather [hbm4b:s31+s3], $0x80, v4, vm0, $0xb8;
	[tilespmem:$0x18580] =	vst v63  }
0x6e: {  	s0 =	simm.s32 $0x6580  }
0x6f: {  	[tilespmem:s0], [sflag:$0x1] =	stream.indirect_vreg.gather [hbm4b:s1+s3], $0x80, v3, vm0, $0xb8;
	[tilespmem:$0x18580] =	vst v63  }
0x70: {  	s2 =	simm.s32 $0x6D80  }
0x71: {  	[tilespmem:s2], [sflag:$0x1] =	stream.indirect_vreg.gather [hbm4b:s9+s3], $0x80, v3, vm0, $0xb8;
	[tilespmem:$0x18580] =	vst v63  }
0x72: {  	s2 =	simm.s32 $0x7580  }
0x73: {  	[tilespmem:s2], [sflag:$0x1] =	stream.indirect_vreg.gather [hbm4b:s10+s3], $0x80, v3, vm0, $0xb8;
	[tilespmem:$0x18580] =	vst v63  }
0x74: {  	s2 =	simm.s32 $0x7D80  }
0x75: {  	[tilespmem:s2], [sflag:$0x1] =	stream.indirect_vreg.gather [hbm4b:s11+s3], $0x80, v3, vm0, $0xb8;
	[tilespmem:$0x18580] =	vst v63  }
0x76: {  	s2 =	simm.s32 $0x8580  }
0x77: {  	[tilespmem:s2], [sflag:$0x1] =	stream.indirect_vreg.gather [hbm4b:s12+s3], $0x80, v3, vm0, $0xb8;
	[tilespmem:$0x18580] =	vst v63  }
0x78: {  	s2 =	simm.s32 $0x8D80  }
0x79: {  	[tilespmem:s2], [sflag:$0x1] =	stream.indirect_vreg.gather [hbm4b:s13+s3], $0x80, v3, vm0, $0xb8;
	[tilespmem:$0x18580] =	vst v63  }
0x7a: {  	s2 =	simm.s32 $0x9580  }
0x7b: {  	[tilespmem:s2], [sflag:$0x1] =	stream.indirect_vreg.gather [hbm4b:s26+s3], $0x80, v3, vm0, $0xb8;
	[tilespmem:$0x18580] =	vst v63  }
0x7c: {  	s2 =	simm.s32 $0x9D80  }
0x7d: {  	[tilespmem:s2], [sflag:$0x1] =	stream.indirect_vreg.gather [hbm4b:s8+s3], $0x80, v3, vm0, $0xb8;
	[tilespmem:$0x18580] =	vst v63  }
0x7e: {  	s2 =	simm.s32 $0xA580  }
0x7f: {  	[tilespmem:s2], [sflag:$0x1] =	stream.indirect_vreg.gather [hbm4b:s28+s3], $0x80, v3, vm0, $0xb8;
	[tilespmem:$0x18580] =	vst v63  }
0x80: {  	s2 =	simm.s32 $0xAD80  }
0x81: {  	[tilespmem:s2], [sflag:$0x1] =	stream.indirect_vreg.gather [hbm4b:s29+s3], $0x80, v3, vm0, $0xb8;
	[tilespmem:$0x18580] =	vst v63  }
0x82: {  	s2 =	simm.s32 $0xB580  }
0x83: {  	[tilespmem:s2], [sflag:$0x1] =	stream.indirect_vreg.gather [hbm4b:s30+s3], $0x80, v3, vm0, $0xb8;
	[tilespmem:$0x18580] =	vst v63  }
0x84: {  	s2 =	simm.s32 $0xBD80  }
0x85: {  	[tilespmem:s2], [sflag:$0x1] =	stream.indirect_vreg.gather [hbm4b:s31+s3], $0x80, v3, vm0, $0xb8;
	[tilespmem:$0x18580] =	vst v63  }
0x86: {  	s2 =	rddreg [dreg:$0x1a]  }
0x87: {  	p0 =	sge.s32 s5, s2  }
0x88: {  	v3 =	vld @!p0 [tilespmem:s7+$0x0];
	_ =	sdelay $0x4  }
0x89: {  	v4 =	vshrl.u32 @!p0 v3, $0x3  }
0x8a: {  	v4 =	vmul.u32 @!p0 $0xC0, v4  }
0x8b: {  	v5 =	vlaneseq.u32 @!p0;
	v3 =	vand.u32 @!p0 $0x7, v3  }
0x8c: {  	v6 =	vshrl.u32 @!p0 v5, $0x3;
	v3 =	vor.u32 @!p0 v3, v4;
	v4 =	vand.u32 @!p0 $0x7, v5  }
0x8d: {  	v6 =	vmul.u32 @!p0 $0x8, v6;
	v4 =	vperm.xlane @!p0 v3, v4;
	_ =	sdelay $0x1  }
0x8e: {  	v4 =	vadd.s32 @!p0 v6, v4;
	_ =	sdelay $0x3  }
0x8f: {  	vm1 =	vmmov @!p0 $0xffff;
	s2 =	simm.s32 @!p0 $0x0;
	s0 =	simm.s32 @!p0 $0xC580  }
0x90: {  	[tilespmem:s0], [sflag:$0x1] =	stream.indirect_vreg.gather @!p0 [hbm4b:s1+s2], $0x80, v4, vm1, $0xb8;
	[tilespmem:$0x18580] =	vst v63  }
0x91: {  	s0 =	simm.s32 @!p0 $0xCD80  }
0x92: {  	[tilespmem:s0], [sflag:$0x1] =	stream.indirect_vreg.gather @!p0 [hbm4b:s9+s2], $0x80, v4, vm1, $0xb8;
	[tilespmem:$0x18580] =	vst v63  }
0x93: {  	s0 =	simm.s32 @!p0 $0xD580  }
0x94: {  	[tilespmem:s0], [sflag:$0x1] =	stream.indirect_vreg.gather @!p0 [hbm4b:s10+s2], $0x80, v4, vm1, $0xb8;
	[tilespmem:$0x18580] =	vst v63  }
0x95: {  	s0 =	simm.s32 @!p0 $0xDD80  }
0x96: {  	[tilespmem:s0], [sflag:$0x1] =	stream.indirect_vreg.gather @!p0 [hbm4b:s11+s2], $0x80, v4, vm1, $0xb8;
	[tilespmem:$0x18580] =	vst v63  }
0x97: {  	s0 =	simm.s32 @!p0 $0xE580  }
0x98: {  	[tilespmem:s0], [sflag:$0x1] =	stream.indirect_vreg.gather @!p0 [hbm4b:s12+s2], $0x80, v4, vm1, $0xb8;
	[tilespmem:$0x18580] =	vst v63  }
0x99: {  	s0 =	simm.s32 @!p0 $0xED80  }
0x9a: {  	[tilespmem:s0], [sflag:$0x1] =	stream.indirect_vreg.gather @!p0 [hbm4b:s13+s2], $0x80, v4, vm1, $0xb8;
	[tilespmem:$0x18580] =	vst v63  }
0x9b: {  	s0 =	simm.s32 @!p0 $0xF580  }
0x9c: {  	[tilespmem:s0], [sflag:$0x1] =	stream.indirect_vreg.gather @!p0 [hbm4b:s26+s2], $0x80, v4, vm1, $0xb8;
	[tilespmem:$0x18580] =	vst v63  }
0x9d: {  	s0 =	simm.s32 @!p0 $0xFD80  }
0x9e: {  	[tilespmem:s0], [sflag:$0x1] =	stream.indirect_vreg.gather @!p0 [hbm4b:s8+s2], $0x80, v4, vm1, $0xb8;
	[tilespmem:$0x18580] =	vst v63  }
0x9f: {  	s0 =	simm.s32 @!p0 $0x10580  }
0xa0: {  	v5 =	vor.u32 @!p0 $0x8, v5;
	[tilespmem:s0], [sflag:$0x1] =	stream.indirect_vreg.gather @!p0 [hbm4b:s28+s2], $0x80, v4, vm1, $0xb8;
	[tilespmem:$0x18580] =	vst v63  }
0xa1: {  	v3 =	vperm.xlane @!p0 v3, v5;
	s0 =	simm.s32 @!p0 $0x10D80  }
0xa2: {  	[tilespmem:s0], [sflag:$0x1] =	stream.indirect_vreg.gather @!p0 [hbm4b:s29+s2], $0x80, v4, vm1, $0xb8;
	[tilespmem:$0x18580] =	vst v63  }
0xa3: {  	v3 =	vadd.s32 @!p0 v6, v3;
	s0 =	simm.s32 @!p0 $0x11580  }
0xa4: {  	[tilespmem:s0], [sflag:$0x1] =	stream.indirect_vreg.gather @!p0 [hbm4b:s30+s2], $0x80, v4, vm1, $0xb8;
	[tilespmem:$0x18580] =	vst v63  }
0xa5: {  	s0 =	simm.s32 @!p0 $0x11D80  }
0xa6: {  	[tilespmem:s0], [sflag:$0x1] =	stream.indirect_vreg.gather @!p0 [hbm4b:s31+s2], $0x80, v4, vm1, $0xb8;
	[tilespmem:$0x18580] =	vst v63  }
0xa7: {  	s0 =	simm.s32 @!p0 $0x12580  }
0xa8: {  	[tilespmem:s0], [sflag:$0x1] =	stream.indirect_vreg.gather @!p0 [hbm4b:s1+s2], $0x80, v3, vm1, $0xb8;
	[tilespmem:$0x18580] =	vst v63  }
0xa9: {  	s0 =	simm.s32 @!p0 $0x12D80  }
0xaa: {  	[tilespmem:s0], [sflag:$0x1] =	stream.indirect_vreg.gather @!p0 [hbm4b:s9+s2], $0x80, v3, vm1, $0xb8;
	[tilespmem:$0x18580] =	vst v63  }
0xab: {  	s0 =	simm.s32 @!p0 $0x13580  }
0xac: {  	[tilespmem:s0], [sflag:$0x1] =	stream.indirect_vreg.gather @!p0 [hbm4b:s10+s2], $0x80, v3, vm1, $0xb8;
	[tilespmem:$0x18580] =	vst v63  }
0xad: {  	s0 =	simm.s32 @!p0 $0x13D80  }
0xae: {  	[tilespmem:s0], [sflag:$0x1] =	stream.indirect_vreg.gather @!p0 [hbm4b:s11+s2], $0x80, v3, vm1, $0xb8;
	[tilespmem:$0x18580] =	vst v63  }
0xaf: {  	s0 =	simm.s32 @!p0 $0x14580  }
0xb0: {  	[tilespmem:s0], [sflag:$0x1] =	stream.indirect_vreg.gather @!p0 [hbm4b:s12+s2], $0x80, v3, vm1, $0xb8;
	[tilespmem:$0x18580] =	vst v63  }
0xb1: {  	s0 =	simm.s32 @!p0 $0x14D80  }
0xb2: {  	[tilespmem:s0], [sflag:$0x1] =	stream.indirect_vreg.gather @!p0 [hbm4b:s13+s2], $0x80, v3, vm1, $0xb8;
	[tilespmem:$0x18580] =	vst v63  }
0xb3: {  	s0 =	simm.s32 @!p0 $0x15580  }
0xb4: {  	[tilespmem:s0], [sflag:$0x1] =	stream.indirect_vreg.gather @!p0 [hbm4b:s26+s2], $0x80, v3, vm1, $0xb8;
	[tilespmem:$0x18580] =	vst v63  }
0xb5: {  	s0 =	simm.s32 @!p0 $0x15D80  }
0xb6: {  	[tilespmem:s0], [sflag:$0x1] =	stream.indirect_vreg.gather @!p0 [hbm4b:s8+s2], $0x80, v3, vm1, $0xb8;
	[tilespmem:$0x18580] =	vst v63  }
0xb7: {  	s0 =	simm.s32 @!p0 $0x16580  }
0xb8: {  	[tilespmem:s0], [sflag:$0x1] =	stream.indirect_vreg.gather @!p0 [hbm4b:s28+s2], $0x80, v3, vm1, $0xb8;
	[tilespmem:$0x18580] =	vst v63  }
0xb9: {  	s0 =	simm.s32 @!p0 $0x16D80  }
0xba: {  	[tilespmem:s0], [sflag:$0x1] =	stream.indirect_vreg.gather @!p0 [hbm4b:s29+s2], $0x80, v3, vm1, $0xb8;
	[tilespmem:$0x18580] =	vst v63  }
0xbb: {  	s0 =	simm.s32 @!p0 $0x17580  }
0xbc: {  	[tilespmem:s0], [sflag:$0x1] =	stream.indirect_vreg.gather @!p0 [hbm4b:s30+s2], $0x80, v3, vm1, $0xb8;
	[tilespmem:$0x18580] =	vst v63  }
0xbd: {  	s9 =	simm.s32 $0x1;
	s0 =	simm.s32 @!p0 $0x17D80  }
0xbe: {  	[tilespmem:s0], [sflag:$0x1] =	stream.indirect_vreg.gather @!p0 [hbm4b:s31+s2], $0x80, v3, vm1, $0xb8;
	[tilespmem:$0x18580] =	vst v63  }
0xbf: {  	_ =	swait.ge [sflag:s9], $0xC000  }
0xc0: {  	[sflag:s9] =	ssyncset.done $0x0  }
0xc1: {  	[sflag:s9] =	ssyncadd.s32 $0xFFFF4000  }
0xc2: {  	v3 =	vld [tilespmem:s25+$0xFFFFFFF0];
	_ =	sdelay $0x4  }
0xc3: {  	v63 =	vshrl.u32 v3, $0x3  }
0xc4: {  	v4 =	vmul.u32 $0xC0, v63  }
0xc5: {  	v3 =	vand.u32 $0x7, v3  }
0xc6: {  	v3 =	vor.u32 v3, v4  }
0xc7: {  	v4 =	vperm.xlane v3, v0;
	_ =	sdelay $0x1  }
0xc8: {  	v4 =	vadd.s32 v1, v4;
	_ =	sdelay $0x3  }
0xc9: {  	s10 =	rddreg [dreg:$0x7]  }
0xca: {  	[hbm4b:s10+s3] =	stream.indirect_vreg.scatter [tilespmem:s4], [sflag:$0x2], $0x80, v4, vm0, $0xb8;
	[tilespmem:$0x18580] =	vst v63  }
0xcb: {  	s11 =	rddreg [dreg:$0x8]  }
0xcc: {  	[hbm4b:s11+s3] =	stream.indirect_vreg.scatter [tilespmem:s14], [sflag:$0x2], $0x80, v4, vm0, $0xb8;
	[tilespmem:$0x18580] =	vst v63  }
0xcd: {  	s12 =	rddreg [dreg:$0x9]  }
0xce: {  	[hbm4b:s12+s3] =	stream.indirect_vreg.scatter [tilespmem:s15], [sflag:$0x2], $0x80, v4, vm0, $0xb8;
	[tilespmem:$0x18580] =	vst v63  }
0xcf: {  	s13 =	rddreg [dreg:$0xa]  }
0xd0: {  	[hbm4b:s13+s3] =	stream.indirect_vreg.scatter [tilespmem:s16], [sflag:$0x2], $0x80, v4, vm0, $0xb8;
	[tilespmem:$0x18580] =	vst v63  }
0xd1: {  	s14 =	rddreg [dreg:$0xb]  }
0xd2: {  	[hbm4b:s14+s3] =	stream.indirect_vreg.scatter [tilespmem:s17], [sflag:$0x2], $0x80, v4, vm0, $0xb8;
	[tilespmem:$0x18580] =	vst v63  }
0xd3: {  	s15 =	rddreg [dreg:$0xc]  }
0xd4: {  	[hbm4b:s15+s3] =	stream.indirect_vreg.scatter [tilespmem:s18], [sflag:$0x2], $0x80, v4, vm0, $0xb8;
	[tilespmem:$0x18580] =	vst v63  }
0xd5: {  	s16 =	rddreg [dreg:$0xd]  }
0xd6: {  	[hbm4b:s16+s3] =	stream.indirect_vreg.scatter [tilespmem:s19], [sflag:$0x2], $0x80, v4, vm0, $0xb8;
	[tilespmem:$0x18580] =	vst v63  }
0xd7: {  	s17 =	rddreg [dreg:$0xe]  }
0xd8: {  	[hbm4b:s17+s3] =	stream.indirect_vreg.scatter [tilespmem:s20], [sflag:$0x2], $0x80, v4, vm0, $0xb8;
	[tilespmem:$0x18580] =	vst v63  }
0xd9: {  	s18 =	rddreg [dreg:$0xf]  }
0xda: {  	[hbm4b:s18+s3] =	stream.indirect_vreg.scatter [tilespmem:s21], [sflag:$0x2], $0x80, v4, vm0, $0xb8;
	[tilespmem:$0x18580] =	vst v63  }
0xdb: {  	v3 =	vperm.xlane v3, v2;
	s19 =	rddreg [dreg:$0x10]  }
0xdc: {  	[hbm4b:s19+s3] =	stream.indirect_vreg.scatter [tilespmem:s22], [sflag:$0x2], $0x80, v4, vm0, $0xb8;
	[tilespmem:$0x18580] =	vst v63  }
0xdd: {  	v3 =	vadd.s32 v1, v3;
	s20 =	rddreg [dreg:$0x11]  }
0xde: {  	[hbm4b:s20+s3] =	stream.indirect_vreg.scatter [tilespmem:s23], [sflag:$0x2], $0x80, v4, vm0, $0xb8;
	[tilespmem:$0x18580] =	vst v63  }
0xdf: {  	s21 =	rddreg [dreg:$0x12]  }
0xe0: {  	[hbm4b:s21+s3] =	stream.indirect_vreg.scatter [tilespmem:s24], [sflag:$0x2], $0x80, v4, vm0, $0xb8;
	[tilespmem:$0x18580] =	vst v63  }
0xe1: {  	s26 =	simm.s32 $0x6580  }
0xe2: {  	[hbm4b:s10+s3] =	stream.indirect_vreg.scatter [tilespmem:s26], [sflag:$0x2], $0x80, v3, vm0, $0xb8;
	[tilespmem:$0x18580] =	vst v63  }
0xe3: {  	s10 =	simm.s32 $0x6D80  }
0xe4: {  	[hbm4b:s11+s3] =	stream.indirect_vreg.scatter [tilespmem:s10], [sflag:$0x2], $0x80, v3, vm0, $0xb8;
	[tilespmem:$0x18580] =	vst v63  }
0xe5: {  	s11 =	simm.s32 $0x7580  }
0xe6: {  	[hbm4b:s12+s3] =	stream.indirect_vreg.scatter [tilespmem:s11], [sflag:$0x2], $0x80, v3, vm0, $0xb8;
	[tilespmem:$0x18580] =	vst v63  }
0xe7: {  	s12 =	simm.s32 $0x7D80  }
0xe8: {  	[hbm4b:s13+s3] =	stream.indirect_vreg.scatter [tilespmem:s12], [sflag:$0x2], $0x80, v3, vm0, $0xb8;
	[tilespmem:$0x18580] =	vst v63  }
0xe9: {  	s13 =	simm.s32 $0x8580  }
0xea: {  	[hbm4b:s14+s3] =	stream.indirect_vreg.scatter [tilespmem:s13], [sflag:$0x2], $0x80, v3, vm0, $0xb8;
	[tilespmem:$0x18580] =	vst v63  }
0xeb: {  	s14 =	simm.s32 $0x8D80  }
0xec: {  	[hbm4b:s15+s3] =	stream.indirect_vreg.scatter [tilespmem:s14], [sflag:$0x2], $0x80, v3, vm0, $0xb8;
	[tilespmem:$0x18580] =	vst v63  }
0xed: {  	s15 =	simm.s32 $0x9580  }
0xee: {  	[hbm4b:s16+s3] =	stream.indirect_vreg.scatter [tilespmem:s15], [sflag:$0x2], $0x80, v3, vm0, $0xb8;
	[tilespmem:$0x18580] =	vst v63  }
0xef: {  	s16 =	simm.s32 $0x9D80  }
0xf0: {  	[hbm4b:s17+s3] =	stream.indirect_vreg.scatter [tilespmem:s16], [sflag:$0x2], $0x80, v3, vm0, $0xb8;
	[tilespmem:$0x18580] =	vst v63  }
0xf1: {  	s17 =	simm.s32 $0xA580  }
0xf2: {  	[hbm4b:s18+s3] =	stream.indirect_vreg.scatter [tilespmem:s17], [sflag:$0x2], $0x80, v3, vm0, $0xb8;
	[tilespmem:$0x18580] =	vst v63  }
0xf3: {  	s18 =	simm.s32 $0xAD80  }
0xf4: {  	[hbm4b:s19+s3] =	stream.indirect_vreg.scatter [tilespmem:s18], [sflag:$0x2], $0x80, v3, vm0, $0xb8;
	[tilespmem:$0x18580] =	vst v63  }
0xf5: {  	s19 =	simm.s32 $0xB580  }
0xf6: {  	[hbm4b:s20+s3] =	stream.indirect_vreg.scatter [tilespmem:s19], [sflag:$0x2], $0x80, v3, vm0, $0xb8;
	[tilespmem:$0x18580] =	vst v63  }
.Ltmp5:
0xf7: {  	s26 =	simm.s32 $0x2;
	s20 =	simm.s32 $0xBD80;
	(pc) =	sbr.rel @p0 .LBB2_5-.Ltmp5, $4  }
0xf8: {  	[hbm4b:s21+s3] =	stream.indirect_vreg.scatter [tilespmem:s20], [sflag:$0x2], $0x80, v3, vm0, $0xb8;
	[tilespmem:$0x18580] =	vst v63  }
0xf9: {  	_ =	swait.ge [sflag:s26], $0xC000  }
0xfa: {  	[sflag:s26] =	ssyncset.done $0x0  }
0xfb: {  	[sflag:s26] =	ssyncadd.s32 $0xFFFF4000  }
0xfc: {  	s0 =	simm.s32 $0x1  }
0xfd: {  	_ =	swait.ge [sflag:s0], $0xC000  }
0xfe: {  	[sflag:s0] =	ssyncset.done $0x0  }
0xff: {  	[sflag:s0] =	ssyncadd.s32 $0xFFFF4000  }
0x100: {  	v3 =	vld [tilespmem:s25+$0x0];
	_ =	sdelay $0x4  }
0x101: {  	v4 =	vshrl.u32 v3, $0x3  }
0x102: {  	v4 =	vmul.u32 $0xC0, v4  }
0x103: {  	v3 =	vand.u32 $0x7, v3  }
0x104: {  	v3 =	vor.u32 v3, v4  }
0x105: {  	v4 =	vperm.xlane v3, v0;
	_ =	sdelay $0x1  }
0x106: {  	v4 =	vadd.s32 v1, v4;
	_ =	sdelay $0x3  }
0x107: {  	s1 =	simm.s32 $0xC580;
	s0 =	rddreg [dreg:$0x7]  }
0x108: {  	[hbm4b:s0+s3] =	stream.indirect_vreg.scatter [tilespmem:s1], [sflag:$0x2], $0x80, v4, vm0, $0xb8;
	[tilespmem:$0x18580] =	vst v63  }
0x109: {  	s2 =	simm.s32 $0xCD80;
	s1 =	rddreg [dreg:$0x8]  }
0x10a: {  	[hbm4b:s1+s3] =	stream.indirect_vreg.scatter [tilespmem:s2], [sflag:$0x2], $0x80, v4, vm0, $0xb8;
	[tilespmem:$0x18580] =	vst v63  }
0x10b: {  	s4 =	simm.s32 $0xD580;
	s2 =	rddreg [dreg:$0x9]  }
0x10c: {  	[hbm4b:s2+s3] =	stream.indirect_vreg.scatter [tilespmem:s4], [sflag:$0x2], $0x80, v4, vm0, $0xb8;
	[tilespmem:$0x18580] =	vst v63  }
0x10d: {  	s9 =	simm.s32 $0xDD80;
	s4 =	rddreg [dreg:$0xa]  }
0x10e: {  	[hbm4b:s4+s3] =	stream.indirect_vreg.scatter [tilespmem:s9], [sflag:$0x2], $0x80, v4, vm0, $0xb8;
	[tilespmem:$0x18580] =	vst v63  }
0x10f: {  	s19 =	simm.s32 $0xE580;
	s14 =	rddreg [dreg:$0xb]  }
0x110: {  	[hbm4b:s14+s3] =	stream.indirect_vreg.scatter [tilespmem:s19], [sflag:$0x2], $0x80, v4, vm0, $0xb8;
	[tilespmem:$0x18580] =	vst v63  }
0x111: {  	s20 =	simm.s32 $0xED80;
	s15 =	rddreg [dreg:$0xc]  }
0x112: {  	[hbm4b:s15+s3] =	stream.indirect_vreg.scatter [tilespmem:s20], [sflag:$0x2], $0x80, v4, vm0, $0xb8;
	[tilespmem:$0x18580] =	vst v63  }
0x113: {  	s21 =	simm.s32 $0xF580;
	s16 =	rddreg [dreg:$0xd]  }
0x114: {  	[hbm4b:s16+s3] =	stream.indirect_vreg.scatter [tilespmem:s21], [sflag:$0x2], $0x80, v4, vm0, $0xb8;
	[tilespmem:$0x18580] =	vst v63  }
0x115: {  	s26 =	simm.s32 $0xFD80;
	s17 =	rddreg [dreg:$0xe]  }
0x116: {  	[hbm4b:s17+s3] =	stream.indirect_vreg.scatter [tilespmem:s26], [sflag:$0x2], $0x80, v4, vm0, $0xb8;
	[tilespmem:$0x18580] =	vst v63  }
0x117: {  	s10 =	simm.s32 $0x10580;
	s18 =	rddreg [dreg:$0xf]  }
0x118: {  	[hbm4b:s18+s3] =	stream.indirect_vreg.scatter [tilespmem:s10], [sflag:$0x2], $0x80, v4, vm0, $0xb8;
	[tilespmem:$0x18580] =	vst v63  }
0x119: {  	s11 =	simm.s32 $0x10D80;
	v3 =	vperm.xlane v3, v2;
	s19 =	rddreg [dreg:$0x10]  }
0x11a: {  	[hbm4b:s19+s3] =	stream.indirect_vreg.scatter [tilespmem:s11], [sflag:$0x2], $0x80, v4, vm0, $0xb8;
	[tilespmem:$0x18580] =	vst v63  }
0x11b: {  	s12 =	simm.s32 $0x11580;
	v3 =	vadd.s32 v1, v3;
	s20 =	rddreg [dreg:$0x11]  }
0x11c: {  	[hbm4b:s20+s3] =	stream.indirect_vreg.scatter [tilespmem:s12], [sflag:$0x2], $0x80, v4, vm0, $0xb8;
	[tilespmem:$0x18580] =	vst v63  }
0x11d: {  	s13 =	simm.s32 $0x11D80;
	s21 =	rddreg [dreg:$0x12]  }
0x11e: {  	[hbm4b:s21+s3] =	stream.indirect_vreg.scatter [tilespmem:s13], [sflag:$0x2], $0x80, v4, vm0, $0xb8;
	[tilespmem:$0x18580] =	vst v63  }
0x11f: {  	s26 =	simm.s32 $0x12580  }
0x120: {  	[hbm4b:s0+s3] =	stream.indirect_vreg.scatter [tilespmem:s26], [sflag:$0x2], $0x80, v3, vm0, $0xb8;
	[tilespmem:$0x18580] =	vst v63  }
0x121: {  	s10 =	simm.s32 $0x12D80  }
0x122: {  	[hbm4b:s1+s3] =	stream.indirect_vreg.scatter [tilespmem:s10], [sflag:$0x2], $0x80, v3, vm0, $0xb8;
	[tilespmem:$0x18580] =	vst v63  }
0x123: {  	s11 =	simm.s32 $0x13580  }
0x124: {  	[hbm4b:s2+s3] =	stream.indirect_vreg.scatter [tilespmem:s11], [sflag:$0x2], $0x80, v3, vm0, $0xb8;
	[tilespmem:$0x18580] =	vst v63  }
0x125: {  	s12 =	simm.s32 $0x13D80  }
0x126: {  	[hbm4b:s4+s3] =	stream.indirect_vreg.scatter [tilespmem:s12], [sflag:$0x2], $0x80, v3, vm0, $0xb8;
	[tilespmem:$0x18580] =	vst v63  }
0x127: {  	s13 =	simm.s32 $0x14580  }
0x128: {  	[hbm4b:s14+s3] =	stream.indirect_vreg.scatter [tilespmem:s13], [sflag:$0x2], $0x80, v3, vm0, $0xb8;
	[tilespmem:$0x18580] =	vst v63  }
0x129: {  	s14 =	simm.s32 $0x14D80  }
0x12a: {  	[hbm4b:s15+s3] =	stream.indirect_vreg.scatter [tilespmem:s14], [sflag:$0x2], $0x80, v3, vm0, $0xb8;
	[tilespmem:$0x18580] =	vst v63  }
0x12b: {  	s15 =	simm.s32 $0x15580  }
0x12c: {  	[hbm4b:s16+s3] =	stream.indirect_vreg.scatter [tilespmem:s15], [sflag:$0x2], $0x80, v3, vm0, $0xb8;
	[tilespmem:$0x18580] =	vst v63  }
0x12d: {  	s16 =	simm.s32 $0x15D80  }
0x12e: {  	[hbm4b:s17+s3] =	stream.indirect_vreg.scatter [tilespmem:s16], [sflag:$0x2], $0x80, v3, vm0, $0xb8;
	[tilespmem:$0x18580] =	vst v63  }
0x12f: {  	s17 =	simm.s32 $0x16580  }
0x130: {  	[hbm4b:s18+s3] =	stream.indirect_vreg.scatter [tilespmem:s17], [sflag:$0x2], $0x80, v3, vm0, $0xb8;
	[tilespmem:$0x18580] =	vst v63  }
0x131: {  	s18 =	simm.s32 $0x16D80  }
0x132: {  	[hbm4b:s19+s3] =	stream.indirect_vreg.scatter [tilespmem:s18], [sflag:$0x2], $0x80, v3, vm0, $0xb8;
	[tilespmem:$0x18580] =	vst v63  }
0x133: {  	s19 =	simm.s32 $0x17580  }
0x134: {  	[hbm4b:s20+s3] =	stream.indirect_vreg.scatter [tilespmem:s19], [sflag:$0x2], $0x80, v3, vm0, $0xb8;
	[tilespmem:$0x18580] =	vst v63  }
.Ltmp6:
0x135: {  	s26 =	simm.s32 $0x2;
	s20 =	simm.s32 $0x17D80;
	(pc) =	sbr.rel .LBB2_5-.Ltmp6, $4  }
0x136: {  	[hbm4b:s21+s3] =	stream.indirect_vreg.scatter [tilespmem:s20], [sflag:$0x2], $0x80, v3, vm0, $0xb8;
	[tilespmem:$0x18580] =	vst v63  }
0x137: {  	_ =	swait.ge [sflag:s26], $0xC000  }
0x138: {  	[sflag:s26] =	ssyncset.done $0x0  }
0x139: {  	[sflag:s26] =	ssyncadd.s32 $0xFFFF4000  }
.LBB2_7:
0x13a: {  	_ =	sfence.sel $0x180000  }
0x13b: {  	[bflag:$0x0] =	sbarrier.arrive $0xFFFF  }
0x13c: {  	_ =	strace $0x9000004A  }
0x13d: {  	s0 =	stileid.u32;
	[bflag:$0x2] =	sbarrier.arrive $0xFFFF  }
0x13e: {  	p0 =	sne.s32 s0, $0x0;
	s0 =	rddreg [dreg:$0x2]  }
0x13f: {  	s0 =	sadd.s32 @!p0 $0x100000, s0  }
0x140: {  	[sflag:s0] =	ssyncadd.tile.s32 @!p0 $0x1;
	_ =	shalt  }
.Lfunc_end2:
_tile_overlayer_lowered:
.L_overlay_start_2:
0x141: {  	(tag) =	ssettag $0x2  }
0x142: {  	s0 =	rddreg [dreg:$0x0];
	s2 =	stileid.u32  }
0x143: {  	s1 =	rddreg [dreg:$0x1];
	p0 =	sne.s32 s2, $0x0  }
0x144: {  	s3 =	rddreg [dreg:$0x2];
	[bflag:$0x3] =	sbarrier.arrive $0xFFFF;
	s2 =	simm.s32 @!p0 $0x1C03  }
0x145: {  	[timem:s3], [sflag:s2] =	dma.local @!p0 [hbm:s0], s1  }
0x146: {  	s0 =	simm.s32 @!p0 $0x3  }
0x147: {  	_ =	swait.ge @!p0 [sflag:s0], s1  }
0x148: {  	s1 =	ssub.s32 @!p0 $0x0, s1;
	[sflag:s0] =	ssyncset.done @!p0 $0x0  }
0x149: {  	[sflag:s0] =	ssyncadd.s32 @!p0 s1  }
0x14a: {  	[bflag:$0x3] =	sbarrier.arrive $0xFFFF  }
0x14b: {  	_ =	shalt  }

</sc_bundles>
